<compile_context>
chip_gen: v7x
topology: tpu7x:2x2x1
jax: 0.10.2.dev20260603
libtpu: 0.0.44.dev20260713+nightly
codegen_flags: <defaults>
</compile_context>

<pallas_src>
import functools

import jax
import jax.numpy as jnp
from jax import lax
from jax.experimental import pallas as pl
from jax.experimental.pallas import tpu as pltpu
from jax.experimental.pallas import tpu_sc as plsc

N = 10000
E = 320000
G = 512
NC, NS = 2, 16
NW = NC * NS
C = 128
CB = 128
EPT = E // NW
NCH = 79
PADE = NCH * C - EPT
NR = 10240
RPT = NR // NS
GP = 544
NPP = 12288
PPT = NPP // NW

_mesh = lambda: plsc.VectorSubcoreMesh(core_axis_name="c", subcore_axis_name="s")



def _make_deg_kernel():
    @functools.partial(
        pl.kernel,
        mesh=_mesh(),
        out_type=(
            jax.ShapeDtypeStruct((NW, RPT), jnp.float32),
            jax.ShapeDtypeStruct((NC, GP), jnp.float32),
        ),
        scratch_types=[
            pltpu.VMEM((NCH, C), jnp.int32),
            pltpu.VMEM((3, CB), jnp.int32),
            pltpu.VMEM((CB,), jnp.float32),
            pltpu.VMEM_SHARED((NR,), jnp.float32),
            pltpu.VMEM_SHARED((GP,), jnp.float32),
        ],
    )
    def deg_kernel(dstp_hbm, batp_hbm, zdeg_hbm, zcnt_hbm, ones_hbm,
                   deg_out, cnt_out,
                   dst_v, bat_v, ones_v, acc_deg, acc_cnt):
        c = lax.axis_index("c")
        s = lax.axis_index("s")
        w = c * NS + s
        pltpu.sync_copy(zdeg_hbm, acc_deg.at[pl.ds(s * RPT, RPT)])

        @pl.when(s == 0)
        def _():
            pltpu.sync_copy(zcnt_hbm, acc_cnt)

        pltpu.sync_copy(dstp_hbm.at[w], dst_v)
        pltpu.sync_copy(batp_hbm.at[w], bat_v)
        pltpu.sync_copy(ones_hbm, ones_v)
        plsc.subcore_barrier()

        def step(j, carry):
            pltpu.sync_copy(ones_v.at[pl.ds(0, C)], acc_deg.at[dst_v.at[j]], add=True)
            return carry

        lax.fori_loop(0, NCH, step, 0)
        for j in range(3):
            pltpu.sync_copy(ones_v, acc_cnt.at[bat_v.at[j]], add=True)
        plsc.subcore_barrier()
        pltpu.sync_copy(acc_deg.at[pl.ds(s * RPT, RPT)], deg_out.at[w])

        @pl.when(s == 0)
        def _():
            pltpu.sync_copy(acc_cnt, cnt_out.at[c])

    return deg_kernel



def _make_seg_kernel(F):
    @functools.partial(
        pl.kernel,
        mesh=_mesh(),
        out_type=jax.ShapeDtypeStruct((NW, RPT, F), jnp.float32),
        scratch_types=[
            pltpu.VMEM((NCH, C), jnp.int32),
            pltpu.VMEM((NCH, C), jnp.int32),
            pltpu.VMEM((C, F), jnp.float32),
            pltpu.VMEM_SHARED((NR, F), jnp.float32),
            pltpu.SemaphoreType.DMA,
        ],
    )
    def seg_kernel(y_hbm, srcp_hbm, dstp_hbm, z_hbm,
                   s_out, src_v, dst_v, rows_v, acc, gsem):
        c = lax.axis_index("c")
        s = lax.axis_index("s")
        w = c * NS + s
        pltpu.sync_copy(z_hbm, acc.at[pl.ds(s * RPT, RPT)])
        pltpu.sync_copy(srcp_hbm.at[w], src_v)
        pltpu.sync_copy(dstp_hbm.at[w], dst_v)
        plsc.subcore_barrier()

        def step(j, carry):
            pltpu.async_copy(y_hbm.at[src_v.at[j]], rows_v, gsem).wait()
            pltpu.sync_copy(rows_v, acc.at[dst_v.at[j]], add=True)
            return carry

        lax.fori_loop(0, NCH, step, 0)
        plsc.subcore_barrier()
        pltpu.sync_copy(acc.at[pl.ds(s * RPT, RPT)], s_out.at[w])

    return seg_kernel



def _make_pool_kernel(F):
    @functools.partial(
        pl.kernel,
        mesh=_mesh(),
        out_type=jax.ShapeDtypeStruct((NC, GP, F), jnp.float32),
        scratch_types=[
            pltpu.VMEM((3, CB), jnp.int32),
            pltpu.VMEM((PPT, F), jnp.float32),
            pltpu.VMEM_SHARED((GP, F), jnp.float32),
        ],
    )
    def pool_kernel(h_hbm, batp_hbm, z_hbm, p_out, bat_v, rows_v, acc):
        c = lax.axis_index("c")
        s = lax.axis_index("s")
        w = c * NS + s

        @pl.when(s == 0)
        def _():
            pltpu.sync_copy(z_hbm, acc)

        pltpu.sync_copy(batp_hbm.at[w], bat_v)
        pltpu.sync_copy(h_hbm.at[pl.ds(w * PPT, PPT)], rows_v)
        plsc.subcore_barrier()
        for j in range(3):
            pltpu.sync_copy(rows_v.at[pl.ds(j * CB, CB)], acc.at[bat_v.at[j]], add=True)
        plsc.subcore_barrier()

        @pl.when(s == 0)
        def _():
            pltpu.sync_copy(acc, p_out.at[c])

    return pool_kernel



_BLK = 256
_GRID = NR // _BLK


def _tc1_body(deg_ref, x_ref, w_ref, dinv_ref, y_ref):
    deg = deg_ref[0, :] + deg_ref[1, :] + 1.0
    dinv = jnp.where(deg > 0, lax.rsqrt(jnp.maximum(deg, 1e-12)), 0.0)
    dinv_ref[...] = dinv
    y_ref[...] = dinv[:, None] * jnp.dot(
        x_ref[...], w_ref[...], preferred_element_type=jnp.float32)


def _layer_body(s_ref, y_ref, dinv_ref, b_ref, w_ref, out_ref):
    dinv = dinv_ref[...]
    h = jnp.maximum(
        dinv[:, None] * (s_ref[0] + s_ref[1] + y_ref[...]) + b_ref[...][None, :], 0.0)
    out_ref[...] = dinv[:, None] * jnp.dot(
        h, w_ref[...], preferred_element_type=jnp.float32)


def _final_body(s_ref, y_ref, dinv_ref, b_ref, h_ref):
    h_ref[...] = jnp.maximum(
        dinv_ref[...][:, None] * (s_ref[0] + s_ref[1] + y_ref[...])
        + b_ref[...][None, :], 0.0)


def _head_body(p_ref, cnt_ref, w1_ref, b1_ref, w2_ref, b2_ref, out_ref):
    sums = p_ref[0, :, :64] + p_ref[1, :, :64]
    cnt = cnt_ref[0] + cnt_ref[1]
    g = sums / jnp.maximum(cnt, 1.0)[:, None]
    z = jnp.maximum(
        jnp.dot(g, w1_ref[...], preferred_element_type=jnp.float32)
        + b1_ref[...][None, :], 0.0)
    out_ref[...] = jnp.dot(
        z, w2_ref[...], preferred_element_type=jnp.float32) + b2_ref[...][None, :]


def _tc1(deg2, x_pad, W1):
    return pl.pallas_call(
        _tc1_body,
        grid=(_GRID,),
        in_specs=[
            pl.BlockSpec((NC, _BLK), lambda i: (0, i)),
            pl.BlockSpec((_BLK, 128), lambda i: (i, 0)),
            pl.BlockSpec((128, 128), lambda i: (0, 0)),
        ],
        out_specs=[
            pl.BlockSpec((_BLK,), lambda i: (i,)),
            pl.BlockSpec((_BLK, 128), lambda i: (i, 0)),
        ],
        out_shape=[
            jax.ShapeDtypeStruct((NR,), jnp.float32),
            jax.ShapeDtypeStruct((NR, 128), jnp.float32),
        ],
    )(deg2, x_pad, W1)


def _tc_layer(s2, y, dinv, b, W, fout):
    fin = y.shape[1]
    return pl.pallas_call(
        _layer_body,
        grid=(_GRID,),
        in_specs=[
            pl.BlockSpec((NC, _BLK, fin), lambda i: (0, i, 0)),
            pl.BlockSpec((_BLK, fin), lambda i: (i, 0)),
            pl.BlockSpec((_BLK,), lambda i: (i,)),
            pl.BlockSpec((fin,), lambda i: (0,)),
            pl.BlockSpec((fin, fout), lambda i: (0, 0)),
        ],
        out_specs=pl.BlockSpec((_BLK, fout), lambda i: (i, 0)),
        out_shape=jax.ShapeDtypeStruct((NR, fout), jnp.float32),
    )(s2, y, dinv, b, W)


def _tc_final(s2, y, dinv, b):
    fin = y.shape[1]
    return pl.pallas_call(
        _final_body,
        grid=(_GRID,),
        in_specs=[
            pl.BlockSpec((NC, _BLK, fin), lambda i: (0, i, 0)),
            pl.BlockSpec((_BLK, fin), lambda i: (i, 0)),
            pl.BlockSpec((_BLK,), lambda i: (i,)),
            pl.BlockSpec((fin,), lambda i: (0,)),
        ],
        out_specs=pl.BlockSpec((_BLK, fin), lambda i: (i, 0)),
        out_shape=jax.ShapeDtypeStruct((NR, fin), jnp.float32),
    )(s2, y, dinv, b)


def _tc_head(p2, cnt2, w1, b1, w2, b2):
    return pl.pallas_call(
        _head_body,
        out_shape=jax.ShapeDtypeStruct((GP, 16), jnp.float32),
    )(p2, cnt2, w1, b1, w2, b2)



def kernel(x, edge_index, batch, conv1_W, conv1_b, conv2_W, conv2_b,
           conv3_W, conv3_b, lin1_W, lin1_b, lin2_W, lin2_b):
    f32 = jnp.float32
    src = edge_index[0].reshape(NW, EPT)
    dst = edge_index[1].reshape(NW, EPT)
    srcp = jnp.pad(src, ((0, 0), (0, PADE))).reshape(NW, NCH, C)
    dstp = jnp.pad(dst, ((0, 0), (0, PADE)), constant_values=N).reshape(NW, NCH, C)
    dstp_deg = dstp
    batp = jnp.pad(batch, (0, NPP - N), constant_values=G).reshape(NW, 3, CB)
    x_pad = jnp.pad(x, ((0, NR - N), (0, 0)))

    z128 = jnp.zeros((RPT, 128), f32)
    zdeg = jnp.zeros((RPT,), f32)
    zcnt = jnp.zeros((GP,), f32)
    zpool = jnp.zeros((GP, 128), f32)
    ones = jnp.ones((CB,), f32)
    W3p = jnp.pad(conv3_W, ((0, 0), (0, 64)))
    b3p = jnp.pad(conv3_b, (0, 64))

    deg_p, cnt_p = _make_deg_kernel()(dstp_deg, batp, zdeg, zcnt, ones)
    deg2 = deg_p.reshape(NC, NR)

    seg128 = _make_seg_kernel(128)

    dinv, y1 = _tc1(deg2, x_pad, conv1_W)
    s1 = seg128(y1, srcp, dstp, z128).reshape(NC, NR, 128)
    y2 = _tc_layer(s1, y1, dinv, conv1_b, conv2_W, 128)
    s2 = seg128(y2, srcp, dstp, z128).reshape(NC, NR, 128)
    y3 = _tc_layer(s2, y2, dinv, conv2_b, W3p, 128)
    s3 = seg128(y3, srcp, dstp, z128).reshape(NC, NR, 128)
    h = _tc_final(s3, y3, dinv, b3p)

    h_pool = jnp.pad(h[:N], ((0, NPP - N), (0, 0)))
    p = _make_pool_kernel(128)(h_pool, batp, zpool)
    out = _tc_head(p, cnt_p, lin1_W, lin1_b, lin2_W, lin2_b)
    return out[:G]

# --- scband reference (transcript-rebuilt; emitter-appended) ---
"""Pipeline reference for scband-molecular-gcn-31361851196181 (READ-ONLY COPY).

The authoritative reference and input builder live on the scoring server;
editing this copy changes nothing except your own understanding.
"""

import jax, jax.numpy as jnp
import numpy as np

N_NODES = 10000
N_EDGES = 320000
NUM_GRAPHS = 512


def _lin_init(k, fan_in, fan_out):
    s = 1.0 / np.sqrt(fan_in)
    return jax.random.uniform(k, (fan_in, fan_out), jnp.float32, -s, s)


def _bias_init(k, fan_in, fan_out):
    s = 1.0 / np.sqrt(fan_in)
    return jax.random.uniform(k, (fan_out,), jnp.float32, -s, s)


def setup_inputs(seed: int = 0):
    key = jax.random.key(seed)
    ks = jax.random.split(key, 16)
    x = jax.random.normal(ks[0], (N_NODES, 128), jnp.float32)
    edge_index = jax.random.randint(ks[1], (2, N_EDGES), 0, N_NODES, dtype=jnp.int32)
    batch = jnp.sort(jax.random.randint(ks[2], (N_NODES,), 0, NUM_GRAPHS, dtype=jnp.int32))
    return {
        'x': x,
        'edge_index': edge_index,
        'batch': batch,
        'conv1_W': _lin_init(ks[3], 128, 128), 'conv1_b': _bias_init(ks[4], 128, 128),
        'conv2_W': _lin_init(ks[5], 128, 128), 'conv2_b': _bias_init(ks[6], 128, 128),
        'conv3_W': _lin_init(ks[7], 128, 64),  'conv3_b': _bias_init(ks[8], 128, 64),
        'lin1_W': _lin_init(ks[9], 64, 32),    'lin1_b': _bias_init(ks[10], 64, 32),
        'lin2_W': _lin_init(ks[11], 32, 16),   'lin2_b': _bias_init(ks[12], 32, 16),
    }


def gcn_conv(x, edge_index, W, b):
    # GCNConv: out = D^{-1/2} (A + I) D^{-1/2} X W + b
    N = x.shape[0]
    loop = jnp.arange(N, dtype=edge_index.dtype)
    src = jnp.concatenate([edge_index[0], loop])
    dst = jnp.concatenate([edge_index[1], loop])
    deg = jax.ops.segment_sum(jnp.ones(src.shape[0], dtype=x.dtype), dst, num_segments=N)
    dinv = jnp.where(deg > 0, jax.lax.rsqrt(jnp.maximum(deg, 1e-12)), 0.0)
    norm = dinv[src] * dinv[dst]
    xw = x @ W
    msg = xw[src] * norm[:, None]
    out = jax.ops.segment_sum(msg, dst, num_segments=N)
    return out + b


def global_mean_pool(h, batch, num_graphs):
    sums = jax.ops.segment_sum(h, batch, num_segments=num_graphs)
    counts = jax.ops.segment_sum(jnp.ones((h.shape[0], 1), h.dtype), batch, num_segments=num_graphs)
    return sums / jnp.maximum(counts, 1.0)


def reference(x, edge_index, batch, conv1_W, conv1_b, conv2_W, conv2_b, conv3_W, conv3_b, lin1_W, lin1_b, lin2_W, lin2_b):
    # dropout inactive in eval mode
    h = jax.nn.relu(gcn_conv(x, edge_index, conv1_W, conv1_b))
    h = jax.nn.relu(gcn_conv(h, edge_index, conv2_W, conv2_b))
    h = jax.nn.relu(gcn_conv(h, edge_index, conv3_W, conv3_b))
    g = global_mean_pool(h, batch, NUM_GRAPHS)
    g = jax.nn.relu(g @ lin1_W + lin1_b)
    return g @ lin2_W + lin2_b

if __name__ == "__main__":
    import jax
    _d = setup_inputs()
    print(jax.jit(kernel)(*tuple(_d.values())))

</pallas_src>

<mosaic_0001>
#map = affine_map<(d0, d1) -> (0, 0, 0)>
#map1 = affine_map<(d0, d1) -> (0)>
#map2 = affine_map<(d0, d1) -> (0, 0)>
module attributes {stable_mosaic.version = 14 : i64} {
  func.func @deg_kernel(%arg0: i32, %arg1: i32, %arg2: memref<32x79x128xi32, #tpu.memory_space<hbm>>, %arg3: memref<32x3x128xi32, #tpu.memory_space<hbm>>, %arg4: memref<640xf32, #tpu.memory_space<hbm>>, %arg5: memref<544xf32, #tpu.memory_space<hbm>>, %arg6: memref<128xf32, #tpu.memory_space<hbm>>, %arg7: memref<32x640xf32, #tpu.memory_space<hbm>>, %arg8: memref<2x544xf32, #tpu.memory_space<hbm>>, %arg9: memref<79x128xi32, #tpu.memory_space<vmem>>, %arg10: memref<3x128xi32, #tpu.memory_space<vmem>>, %arg11: memref<128xf32, #tpu.memory_space<vmem>>, %arg12: memref<10240xf32, #tpu.memory_space<vmem_shared>>, %arg13: memref<544xf32, #tpu.memory_space<vmem_shared>>) attributes {dimension_semantics = [#tpu.dimension_semantics<core_parallel>, #tpu.dimension_semantics<subcore_parallel>], iteration_bounds = array<i64: 2, 16>, scalar_prefetch = 0 : i64, scratch_operands = 5 : i64, tpu.core_type = #tpu.core_type<sc_vector_subcore>, window_params = [{transform_indices = #map}, {transform_indices = #map}, {transform_indices = #map1}, {transform_indices = #map1}, {transform_indices = #map1}, {transform_indices = #map2}, {transform_indices = #map2}]} {
    %mul3A = arith.constant 16 : i32
    %mul3A_0 = arith.muli %arg0, %mul3A : i32
    %add3A = arith.addi %mul3A_0, %arg1 : i32
    %mul3A_1 = arith.constant 640 : i32
    %mul3A_2 = arith.muli %arg1, %mul3A_1 : i32
    "tpu.region"() ({
      %run_scoped3A_20 = tpu.sem_alloc : memref<!tpu.dma_semaphore, #tpu.memory_space<semaphore_mem>>
      %dma_start3A = tpu.memref_slice %arg12[%mul3A_2] : memref<10240xf32, #tpu.memory_space<vmem_shared>> -> memref<640xf32, #tpu.memory_space<vmem_shared>>
      tpu.enqueue_dma source(%arg4 : memref<640xf32, #tpu.memory_space<hbm>>) target(%dma_start3A : memref<640xf32, #tpu.memory_space<vmem_shared>>) target_semaphore(%run_scoped3A_20 : memref<!tpu.dma_semaphore, #tpu.memory_space<semaphore_mem>>)
      %dma_wait3A = tpu.memref_slice %arg12[%mul3A_2] : memref<10240xf32, #tpu.memory_space<vmem_shared>> -> memref<640xf32, #tpu.memory_space<vmem_shared>>
      tpu.wait_dma2 semaphore(%run_scoped3A_20 : memref<!tpu.dma_semaphore, #tpu.memory_space<semaphore_mem>>) src(%arg4 : memref<640xf32, #tpu.memory_space<hbm>>) dst(%dma_wait3A : memref<640xf32, #tpu.memory_space<vmem_shared>>)
      tpu.yield
    }) : () -> ()
    %eq3A = arith.constant 0 : i32
    %eq3A_3 = arith.cmpi eq, %arg1, %eq3A : i32
    %convert_element_type3A = arith.extui %eq3A_3 : i1 to i32
    %cond3A = arith.constant 0 : i32
    %cond3A_4 = arith.cmpi ne, %convert_element_type3A, %cond3A : i32
    scf.if %cond3A_4 {
      "tpu.region"() ({
        %run_scoped3A_20 = tpu.sem_alloc : memref<!tpu.dma_semaphore, #tpu.memory_space<semaphore_mem>>
        tpu.enqueue_dma source(%arg5 : memref<544xf32, #tpu.memory_space<hbm>>) target(%arg13 : memref<544xf32, #tpu.memory_space<vmem_shared>>) target_semaphore(%run_scoped3A_20 : memref<!tpu.dma_semaphore, #tpu.memory_space<semaphore_mem>>)
        tpu.wait_dma2 semaphore(%run_scoped3A_20 : memref<!tpu.dma_semaphore, #tpu.memory_space<semaphore_mem>>) src(%arg5 : memref<544xf32, #tpu.memory_space<hbm>>) dst(%arg13 : memref<544xf32, #tpu.memory_space<vmem_shared>>)
        tpu.yield
      }) : () -> ()
    } else {
    }
    "tpu.region"() ({
      %run_scoped3A_20 = tpu.sem_alloc : memref<!tpu.dma_semaphore, #tpu.memory_space<semaphore_mem>>
      %dma_start3A = arith.constant 0 : i32
      %dma_start3A_21 = arith.constant 0 : i32
      %dma_start3A_22 = tpu.memref_slice %arg2[%add3A, %dma_start3A, %dma_start3A_21] : memref<32x79x128xi32, #tpu.memory_space<hbm>> -> memref<1x79x128xi32, #tpu.memory_space<hbm>>
      %dma_start3A_23 = tpu.memref_squeeze %dma_start3A_22 : memref<1x79x128xi32, #tpu.memory_space<hbm>> -> memref<79x128xi32, #tpu.memory_space<hbm>>
      %dma_start3A_24 = arith.constant 0 : i32
      %dma_start3A_25 = arith.constant 0 : i32
      %dma_start3A_26 = tpu.memref_slice %arg2[%add3A, %dma_start3A_24, %dma_start3A_25] : memref<32x79x128xi32, #tpu.memory_space<hbm>> -> memref<1x79x128xi32, #tpu.memory_space<hbm>>
      %dma_start3A_27 = tpu.memref_squeeze %dma_start3A_26 : memref<1x79x128xi32, #tpu.memory_space<hbm>> -> memref<79x128xi32, #tpu.memory_space<hbm>>
      tpu.enqueue_dma source(%dma_start3A_27 : memref<79x128xi32, #tpu.memory_space<hbm>>) target(%arg9 : memref<79x128xi32, #tpu.memory_space<vmem>>) target_semaphore(%run_scoped3A_20 : memref<!tpu.dma_semaphore, #tpu.memory_space<semaphore_mem>>)
      %dma_wait3A = arith.constant 0 : i32
      %dma_wait3A_28 = arith.constant 0 : i32
      %dma_wait3A_29 = tpu.memref_slice %arg2[%add3A, %dma_wait3A, %dma_wait3A_28] : memref<32x79x128xi32, #tpu.memory_space<hbm>> -> memref<1x79x128xi32, #tpu.memory_space<hbm>>
      %dma_wait3A_30 = tpu.memref_squeeze %dma_wait3A_29 : memref<1x79x128xi32, #tpu.memory_space<hbm>> -> memref<79x128xi32, #tpu.memory_space<hbm>>
      %dma_wait3A_31 = arith.constant 0 : i32
      %dma_wait3A_32 = arith.constant 0 : i32
      %dma_wait3A_33 = tpu.memref_slice %arg2[%add3A, %dma_wait3A_31, %dma_wait3A_32] : memref<32x79x128xi32, #tpu.memory_space<hbm>> -> memref<1x79x128xi32, #tpu.memory_space<hbm>>
      %dma_wait3A_34 = tpu.memref_squeeze %dma_wait3A_33 : memref<1x79x128xi32, #tpu.memory_space<hbm>> -> memref<79x128xi32, #tpu.memory_space<hbm>>
      tpu.wait_dma2 semaphore(%run_scoped3A_20 : memref<!tpu.dma_semaphore, #tpu.memory_space<semaphore_mem>>) src(%dma_wait3A_34 : memref<79x128xi32, #tpu.memory_space<hbm>>) dst(%arg9 : memref<79x128xi32, #tpu.memory_space<vmem>>)
      tpu.yield
    }) : () -> ()
    "tpu.region"() ({
      %run_scoped3A_20 = tpu.sem_alloc : memref<!tpu.dma_semaphore, #tpu.memory_space<semaphore_mem>>
      %dma_start3A = arith.constant 0 : i32
      %dma_start3A_21 = arith.constant 0 : i32
      %dma_start3A_22 = tpu.memref_slice %arg3[%add3A, %dma_start3A, %dma_start3A_21] : memref<32x3x128xi32, #tpu.memory_space<hbm>> -> memref<1x3x128xi32, #tpu.memory_space<hbm>>
      %dma_start3A_23 = tpu.memref_squeeze %dma_start3A_22 : memref<1x3x128xi32, #tpu.memory_space<hbm>> -> memref<3x128xi32, #tpu.memory_space<hbm>>
      %dma_start3A_24 = arith.constant 0 : i32
      %dma_start3A_25 = arith.constant 0 : i32
      %dma_start3A_26 = tpu.memref_slice %arg3[%add3A, %dma_start3A_24, %dma_start3A_25] : memref<32x3x128xi32, #tpu.memory_space<hbm>> -> memref<1x3x128xi32, #tpu.memory_space<hbm>>
      %dma_start3A_27 = tpu.memref_squeeze %dma_start3A_26 : memref<1x3x128xi32, #tpu.memory_space<hbm>> -> memref<3x128xi32, #tpu.memory_space<hbm>>
      tpu.enqueue_dma source(%dma_start3A_27 : memref<3x128xi32, #tpu.memory_space<hbm>>) target(%arg10 : memref<3x128xi32, #tpu.memory_space<vmem>>) target_semaphore(%run_scoped3A_20 : memref<!tpu.dma_semaphore, #tpu.memory_space<semaphore_mem>>)
      %dma_wait3A = arith.constant 0 : i32
      %dma_wait3A_28 = arith.constant 0 : i32
      %dma_wait3A_29 = tpu.memref_slice %arg3[%add3A, %dma_wait3A, %dma_wait3A_28] : memref<32x3x128xi32, #tpu.memory_space<hbm>> -> memref<1x3x128xi32, #tpu.memory_space<hbm>>
      %dma_wait3A_30 = tpu.memref_squeeze %dma_wait3A_29 : memref<1x3x128xi32, #tpu.memory_space<hbm>> -> memref<3x128xi32, #tpu.memory_space<hbm>>
      %dma_wait3A_31 = arith.constant 0 : i32
      %dma_wait3A_32 = arith.constant 0 : i32
      %dma_wait3A_33 = tpu.memref_slice %arg3[%add3A, %dma_wait3A_31, %dma_wait3A_32] : memref<32x3x128xi32, #tpu.memory_space<hbm>> -> memref<1x3x128xi32, #tpu.memory_space<hbm>>
      %dma_wait3A_34 = tpu.memref_squeeze %dma_wait3A_33 : memref<1x3x128xi32, #tpu.memory_space<hbm>> -> memref<3x128xi32, #tpu.memory_space<hbm>>
      tpu.wait_dma2 semaphore(%run_scoped3A_20 : memref<!tpu.dma_semaphore, #tpu.memory_space<semaphore_mem>>) src(%dma_wait3A_34 : memref<3x128xi32, #tpu.memory_space<hbm>>) dst(%arg10 : memref<3x128xi32, #tpu.memory_space<vmem>>)
      tpu.yield
    }) : () -> ()
    "tpu.region"() ({
      %run_scoped3A_20 = tpu.sem_alloc : memref<!tpu.dma_semaphore, #tpu.memory_space<semaphore_mem>>
      tpu.enqueue_dma source(%arg6 : memref<128xf32, #tpu.memory_space<hbm>>) target(%arg11 : memref<128xf32, #tpu.memory_space<vmem>>) target_semaphore(%run_scoped3A_20 : memref<!tpu.dma_semaphore, #tpu.memory_space<semaphore_mem>>)
      tpu.wait_dma2 semaphore(%run_scoped3A_20 : memref<!tpu.dma_semaphore, #tpu.memory_space<semaphore_mem>>) src(%arg6 : memref<128xf32, #tpu.memory_space<hbm>>) dst(%arg11 : memref<128xf32, #tpu.memory_space<vmem>>)
      tpu.yield
    }) : () -> ()
    %barrier3A = arith.constant 0 : index
    tpu.barrier barrier_id(%barrier3A)
    %scan3A = arith.constant 0 : i32
    %scan3A_5 = arith.constant 0 : i32
    %scan3A_6 = arith.constant 79 : i32
    %scan3A_7 = arith.addi %scan3A_5, %scan3A_6 : i32
    %scan3A_8 = arith.constant 1 : i32
    scf.for %scan3A_20 = %scan3A_5 to %scan3A_7 step %scan3A_8  : i32 {
      "tpu.region"() ({
        %run_scoped3A_21 = tpu.sem_alloc : memref<!tpu.dma_semaphore, #tpu.memory_space<semaphore_mem>>
        %dma_start3A = arith.constant 0 : i32
        %dma_start3A_22 = tpu.memref_slice %arg11[%dma_start3A] : memref<128xf32, #tpu.memory_space<vmem>> -> memref<128xf32, #tpu.memory_space<vmem>>
        %dma_start3A_23 = arith.constant 0 : i32
        %dma_start3A_24 = tpu.memref_slice %arg9[%scan3A_20, %dma_start3A_23] : memref<79x128xi32, #tpu.memory_space<vmem>> -> memref<1x128xi32, #tpu.memory_space<vmem>>
        %dma_start3A_25 = tpu.memref_squeeze %dma_start3A_24 : memref<1x128xi32, #tpu.memory_space<vmem>> -> memref<128xi32, #tpu.memory_space<vmem>>
        %dma_start3A_26 = arith.constant 0 : i32
        %dma_start3A_27 = tpu.memref_slice %arg12[%dma_start3A_26] : memref<10240xf32, #tpu.memory_space<vmem_shared>> -> memref<10240xf32, #tpu.memory_space<vmem_shared>>
        tpu.enqueue_indirect_dma source(%dma_start3A_22 : memref<128xf32, #tpu.memory_space<vmem>>) target(%dma_start3A_27 : memref<10240xf32, #tpu.memory_space<vmem_shared>>) offsets(%dma_start3A_25 : memref<128xi32, #tpu.memory_space<vmem>>) semaphore(%run_scoped3A_21 : memref<!tpu.dma_semaphore, #tpu.memory_space<semaphore_mem>>) {add = true}
        %dma_wait3A = arith.constant 0 : i32
        %dma_wait3A_28 = tpu.memref_slice %arg11[%dma_wait3A] : memref<128xf32, #tpu.memory_space<vmem>> -> memref<128xf32, #tpu.memory_space<vmem>>
        %dma_wait3A_29 = arith.constant 0 : i32
        %dma_wait3A_30 = tpu.memref_slice %arg9[%scan3A_20, %dma_wait3A_29] : memref<79x128xi32, #tpu.memory_space<vmem>> -> memref<1x128xi32, #tpu.memory_space<vmem>>
        %dma_wait3A_31 = tpu.memref_squeeze %dma_wait3A_30 : memref<1x128xi32, #tpu.memory_space<vmem>> -> memref<128xi32, #tpu.memory_space<vmem>>
        %dma_wait3A_32 = arith.constant 0 : i32
        %dma_wait3A_33 = tpu.memref_slice %arg12[%dma_wait3A_32] : memref<10240xf32, #tpu.memory_space<vmem_shared>> -> memref<10240xf32, #tpu.memory_space<vmem_shared>>
        tpu.wait_indirect_dma semaphore(%run_scoped3A_21 : memref<!tpu.dma_semaphore, #tpu.memory_space<semaphore_mem>>) src(%dma_wait3A_28 : memref<128xf32, #tpu.memory_space<vmem>>) dst(%dma_wait3A_33 : memref<10240xf32, #tpu.memory_space<vmem_shared>>)
        tpu.yield
      }) : () -> ()
    }
    %scan3A_9 = arith.constant 79 : i32
    %run_scoped3A = arith.constant 0 : i32
    "tpu.region"() ({
      %run_scoped3A_20 = tpu.sem_alloc : memref<!tpu.dma_semaphore, #tpu.memory_space<semaphore_mem>>
      %dma_start3A = arith.constant 0 : i32
      %dma_start3A_21 = tpu.memref_slice %arg10[%run_scoped3A, %dma_start3A] : memref<3x128xi32, #tpu.memory_space<vmem>> -> memref<1x128xi32, #tpu.memory_space<vmem>>
      %dma_start3A_22 = tpu.memref_squeeze %dma_start3A_21 : memref<1x128xi32, #tpu.memory_space<vmem>> -> memref<128xi32, #tpu.memory_space<vmem>>
      %dma_start3A_23 = arith.constant 0 : i32
      %dma_start3A_24 = tpu.memref_slice %arg13[%dma_start3A_23] : memref<544xf32, #tpu.memory_space<vmem_shared>> -> memref<544xf32, #tpu.memory_space<vmem_shared>>
      tpu.enqueue_indirect_dma source(%arg11 : memref<128xf32, #tpu.memory_space<vmem>>) target(%dma_start3A_24 : memref<544xf32, #tpu.memory_space<vmem_shared>>) offsets(%dma_start3A_22 : memref<128xi32, #tpu.memory_space<vmem>>) semaphore(%run_scoped3A_20 : memref<!tpu.dma_semaphore, #tpu.memory_space<semaphore_mem>>) {add = true}
      %dma_wait3A = arith.constant 0 : i32
      %dma_wait3A_25 = tpu.memref_slice %arg10[%run_scoped3A, %dma_wait3A] : memref<3x128xi32, #tpu.memory_space<vmem>> -> memref<1x128xi32, #tpu.memory_space<vmem>>
      %dma_wait3A_26 = tpu.memref_squeeze %dma_wait3A_25 : memref<1x128xi32, #tpu.memory_space<vmem>> -> memref<128xi32, #tpu.memory_space<vmem>>
      %dma_wait3A_27 = arith.constant 0 : i32
      %dma_wait3A_28 = tpu.memref_slice %arg13[%dma_wait3A_27] : memref<544xf32, #tpu.memory_space<vmem_shared>> -> memref<544xf32, #tpu.memory_space<vmem_shared>>
      tpu.wait_indirect_dma semaphore(%run_scoped3A_20 : memref<!tpu.dma_semaphore, #tpu.memory_space<semaphore_mem>>) src(%arg11 : memref<128xf32, #tpu.memory_space<vmem>>) dst(%dma_wait3A_28 : memref<544xf32, #tpu.memory_space<vmem_shared>>)
      tpu.yield
    }) : () -> ()
    %run_scoped3A_10 = arith.constant 1 : i32
    "tpu.region"() ({
      %run_scoped3A_20 = tpu.sem_alloc : memref<!tpu.dma_semaphore, #tpu.memory_space<semaphore_mem>>
      %dma_start3A = arith.constant 0 : i32
      %dma_start3A_21 = tpu.memref_slice %arg10[%run_scoped3A_10, %dma_start3A] : memref<3x128xi32, #tpu.memory_space<vmem>> -> memref<1x128xi32, #tpu.memory_space<vmem>>
      %dma_start3A_22 = tpu.memref_squeeze %dma_start3A_21 : memref<1x128xi32, #tpu.memory_space<vmem>> -> memref<128xi32, #tpu.memory_space<vmem>>
      %dma_start3A_23 = arith.constant 0 : i32
      %dma_start3A_24 = tpu.memref_slice %arg13[%dma_start3A_23] : memref<544xf32, #tpu.memory_space<vmem_shared>> -> memref<544xf32, #tpu.memory_space<vmem_shared>>
      tpu.enqueue_indirect_dma source(%arg11 : memref<128xf32, #tpu.memory_space<vmem>>) target(%dma_start3A_24 : memref<544xf32, #tpu.memory_space<vmem_shared>>) offsets(%dma_start3A_22 : memref<128xi32, #tpu.memory_space<vmem>>) semaphore(%run_scoped3A_20 : memref<!tpu.dma_semaphore, #tpu.memory_space<semaphore_mem>>) {add = true}
      %dma_wait3A = arith.constant 0 : i32
      %dma_wait3A_25 = tpu.memref_slice %arg10[%run_scoped3A_10, %dma_wait3A] : memref<3x128xi32, #tpu.memory_space<vmem>> -> memref<1x128xi32, #tpu.memory_space<vmem>>
      %dma_wait3A_26 = tpu.memref_squeeze %dma_wait3A_25 : memref<1x128xi32, #tpu.memory_space<vmem>> -> memref<128xi32, #tpu.memory_space<vmem>>
      %dma_wait3A_27 = arith.constant 0 : i32
      %dma_wait3A_28 = tpu.memref_slice %arg13[%dma_wait3A_27] : memref<544xf32, #tpu.memory_space<vmem_shared>> -> memref<544xf32, #tpu.memory_space<vmem_shared>>
      tpu.wait_indirect_dma semaphore(%run_scoped3A_20 : memref<!tpu.dma_semaphore, #tpu.memory_space<semaphore_mem>>) src(%arg11 : memref<128xf32, #tpu.memory_space<vmem>>) dst(%dma_wait3A_28 : memref<544xf32, #tpu.memory_space<vmem_shared>>)
      tpu.yield
    }) : () -> ()
    %run_scoped3A_11 = arith.constant 2 : i32
    "tpu.region"() ({
      %run_scoped3A_20 = tpu.sem_alloc : memref<!tpu.dma_semaphore, #tpu.memory_space<semaphore_mem>>
      %dma_start3A = arith.constant 0 : i32
      %dma_start3A_21 = tpu.memref_slice %arg10[%run_scoped3A_11, %dma_start3A] : memref<3x128xi32, #tpu.memory_space<vmem>> -> memref<1x128xi32, #tpu.memory_space<vmem>>
      %dma_start3A_22 = tpu.memref_squeeze %dma_start3A_21 : memref<1x128xi32, #tpu.memory_space<vmem>> -> memref<128xi32, #tpu.memory_space<vmem>>
      %dma_start3A_23 = arith.constant 0 : i32
      %dma_start3A_24 = tpu.memref_slice %arg13[%dma_start3A_23] : memref<544xf32, #tpu.memory_space<vmem_shared>> -> memref<544xf32, #tpu.memory_space<vmem_shared>>
      tpu.enqueue_indirect_dma source(%arg11 : memref<128xf32, #tpu.memory_space<vmem>>) target(%dma_start3A_24 : memref<544xf32, #tpu.memory_space<vmem_shared>>) offsets(%dma_start3A_22 : memref<128xi32, #tpu.memory_space<vmem>>) semaphore(%run_scoped3A_20 : memref<!tpu.dma_semaphore, #tpu.memory_space<semaphore_mem>>) {add = true}
      %dma_wait3A = arith.constant 0 : i32
      %dma_wait3A_25 = tpu.memref_slice %arg10[%run_scoped3A_11, %dma_wait3A] : memref<3x128xi32, #tpu.memory_space<vmem>> -> memref<1x128xi32, #tpu.memory_space<vmem>>
      %dma_wait3A_26 = tpu.memref_squeeze %dma_wait3A_25 : memref<1x128xi32, #tpu.memory_space<vmem>> -> memref<128xi32, #tpu.memory_space<vmem>>
      %dma_wait3A_27 = arith.constant 0 : i32
      %dma_wait3A_28 = tpu.memref_slice %arg13[%dma_wait3A_27] : memref<544xf32, #tpu.memory_space<vmem_shared>> -> memref<544xf32, #tpu.memory_space<vmem_shared>>
      tpu.wait_indirect_dma semaphore(%run_scoped3A_20 : memref<!tpu.dma_semaphore, #tpu.memory_space<semaphore_mem>>) src(%arg11 : memref<128xf32, #tpu.memory_space<vmem>>) dst(%dma_wait3A_28 : memref<544xf32, #tpu.memory_space<vmem_shared>>)
      tpu.yield
    }) : () -> ()
    %barrier3A_12 = arith.constant 0 : index
    tpu.barrier barrier_id(%barrier3A_12)
    %mul3A_13 = arith.constant 640 : i32
    %mul3A_14 = arith.muli %arg1, %mul3A_13 : i32
    "tpu.region"() ({
      %run_scoped3A_20 = tpu.sem_alloc : memref<!tpu.dma_semaphore, #tpu.memory_space<semaphore_mem>>
      %dma_start3A = arith.constant 0 : i32
      %dma_start3A_21 = tpu.memref_slice %arg7[%add3A, %dma_start3A] : memref<32x640xf32, #tpu.memory_space<hbm>> -> memref<1x640xf32, #tpu.memory_space<hbm>>
      %dma_start3A_22 = tpu.memref_squeeze %dma_start3A_21 : memref<1x640xf32, #tpu.memory_space<hbm>> -> memref<640xf32, #tpu.memory_space<hbm>>
      %dma_start3A_23 = tpu.memref_slice %arg12[%mul3A_14] : memref<10240xf32, #tpu.memory_space<vmem_shared>> -> memref<640xf32, #tpu.memory_space<vmem_shared>>
      tpu.enqueue_dma source(%dma_start3A_23 : memref<640xf32, #tpu.memory_space<vmem_shared>>) target(%dma_start3A_22 : memref<640xf32, #tpu.memory_space<hbm>>) target_semaphore(%run_scoped3A_20 : memref<!tpu.dma_semaphore, #tpu.memory_space<semaphore_mem>>)
      %dma_wait3A = arith.constant 0 : i32
      %dma_wait3A_24 = tpu.memref_slice %arg7[%add3A, %dma_wait3A] : memref<32x640xf32, #tpu.memory_space<hbm>> -> memref<1x640xf32, #tpu.memory_space<hbm>>
      %dma_wait3A_25 = tpu.memref_squeeze %dma_wait3A_24 : memref<1x640xf32, #tpu.memory_space<hbm>> -> memref<640xf32, #tpu.memory_space<hbm>>
      %dma_wait3A_26 = tpu.memref_slice %arg12[%mul3A_14] : memref<10240xf32, #tpu.memory_space<vmem_shared>> -> memref<640xf32, #tpu.memory_space<vmem_shared>>
      tpu.wait_dma2 semaphore(%run_scoped3A_20 : memref<!tpu.dma_semaphore, #tpu.memory_space<semaphore_mem>>) src(%dma_wait3A_26 : memref<640xf32, #tpu.memory_space<vmem_shared>>) dst(%dma_wait3A_25 : memref<640xf32, #tpu.memory_space<hbm>>)
      tpu.yield
    }) : () -> ()
    %eq3A_15 = arith.constant 0 : i32
    %eq3A_16 = arith.cmpi eq, %arg1, %eq3A_15 : i32
    %convert_element_type3A_17 = arith.extui %eq3A_16 : i1 to i32
    %cond3A_18 = arith.constant 0 : i32
    %cond3A_19 = arith.cmpi ne, %convert_element_type3A_17, %cond3A_18 : i32
    scf.if %cond3A_19 {
      "tpu.region"() ({
        %run_scoped3A_20 = tpu.sem_alloc : memref<!tpu.dma_semaphore, #tpu.memory_space<semaphore_mem>>
        %dma_start3A = arith.constant 0 : i32
        %dma_start3A_21 = tpu.memref_slice %arg8[%arg0, %dma_start3A] : memref<2x544xf32, #tpu.memory_space<hbm>> -> memref<1x544xf32, #tpu.memory_space<hbm>>
        %dma_start3A_22 = tpu.memref_squeeze %dma_start3A_21 : memref<1x544xf32, #tpu.memory_space<hbm>> -> memref<544xf32, #tpu.memory_space<hbm>>
        tpu.enqueue_dma source(%arg13 : memref<544xf32, #tpu.memory_space<vmem_shared>>) target(%dma_start3A_22 : memref<544xf32, #tpu.memory_space<hbm>>) target_semaphore(%run_scoped3A_20 : memref<!tpu.dma_semaphore, #tpu.memory_space<semaphore_mem>>)
        %dma_wait3A = arith.constant 0 : i32
        %dma_wait3A_23 = tpu.memref_slice %arg8[%arg0, %dma_wait3A] : memref<2x544xf32, #tpu.memory_space<hbm>> -> memref<1x544xf32, #tpu.memory_space<hbm>>
        %dma_wait3A_24 = tpu.memref_squeeze %dma_wait3A_23 : memref<1x544xf32, #tpu.memory_space<hbm>> -> memref<544xf32, #tpu.memory_space<hbm>>
        tpu.wait_dma2 semaphore(%run_scoped3A_20 : memref<!tpu.dma_semaphore, #tpu.memory_space<semaphore_mem>>) src(%arg13 : memref<544xf32, #tpu.memory_space<vmem_shared>>) dst(%dma_wait3A_24 : memref<544xf32, #tpu.memory_space<hbm>>)
        tpu.yield
      }) : () -> ()
    } else {
    }
    return
  }
}

#map = affine_map<(d0, d1) -> (0, 0)>
#map1 = affine_map<(d0, d1) -> (0, 0, 0)>
module attributes {stable_mosaic.version = 14 : i64} {
  func.func @seg_kernel(%arg0: i32, %arg1: i32, %arg2: memref<10240x128xf32, #tpu.memory_space<hbm>>, %arg3: memref<32x79x128xi32, #tpu.memory_space<hbm>>, %arg4: memref<32x79x128xi32, #tpu.memory_space<hbm>>, %arg5: memref<640x128xf32, #tpu.memory_space<hbm>>, %arg6: memref<32x640x128xf32, #tpu.memory_space<hbm>>, %arg7: memref<79x128xi32, #tpu.memory_space<vmem>>, %arg8: memref<79x128xi32, #tpu.memory_space<vmem>>, %arg9: memref<128x128xf32, #tpu.memory_space<vmem>>, %arg10: memref<10240x128xf32, #tpu.memory_space<vmem_shared>>, %arg11: memref<!tpu.dma_semaphore, #tpu.memory_space<semaphore_mem>>) attributes {dimension_semantics = [#tpu.dimension_semantics<core_parallel>, #tpu.dimension_semantics<subcore_parallel>], iteration_bounds = array<i64: 2, 16>, scalar_prefetch = 0 : i64, scratch_operands = 5 : i64, tpu.core_type = #tpu.core_type<sc_vector_subcore>, window_params = [{transform_indices = #map}, {transform_indices = #map1}, {transform_indices = #map1}, {transform_indices = #map}, {transform_indices = #map1}]} {
    %mul3A = arith.constant 16 : i32
    %mul3A_0 = arith.muli %arg0, %mul3A : i32
    %add3A = arith.addi %mul3A_0, %arg1 : i32
    %mul3A_1 = arith.constant 640 : i32
    %mul3A_2 = arith.muli %arg1, %mul3A_1 : i32
    "tpu.region"() ({
      %run_scoped3A = tpu.sem_alloc : memref<!tpu.dma_semaphore, #tpu.memory_space<semaphore_mem>>
      %dma_start3A = arith.constant 0 : i32
      %dma_start3A_11 = tpu.memref_slice %arg10[%mul3A_2, %dma_start3A] : memref<10240x128xf32, #tpu.memory_space<vmem_shared>> -> memref<640x128xf32, #tpu.memory_space<vmem_shared>>
      tpu.enqueue_dma source(%arg5 : memref<640x128xf32, #tpu.memory_space<hbm>>) target(%dma_start3A_11 : memref<640x128xf32, #tpu.memory_space<vmem_shared>>) target_semaphore(%run_scoped3A : memref<!tpu.dma_semaphore, #tpu.memory_space<semaphore_mem>>)
      %dma_wait3A = arith.constant 0 : i32
      %dma_wait3A_12 = tpu.memref_slice %arg10[%mul3A_2, %dma_wait3A] : memref<10240x128xf32, #tpu.memory_space<vmem_shared>> -> memref<640x128xf32, #tpu.memory_space<vmem_shared>>
      tpu.wait_dma2 semaphore(%run_scoped3A : memref<!tpu.dma_semaphore, #tpu.memory_space<semaphore_mem>>) src(%arg5 : memref<640x128xf32, #tpu.memory_space<hbm>>) dst(%dma_wait3A_12 : memref<640x128xf32, #tpu.memory_space<vmem_shared>>)
      tpu.yield
    }) : () -> ()
    "tpu.region"() ({
      %run_scoped3A = tpu.sem_alloc : memref<!tpu.dma_semaphore, #tpu.memory_space<semaphore_mem>>
      %dma_start3A = arith.constant 0 : i32
      %dma_start3A_11 = arith.constant 0 : i32
      %dma_start3A_12 = tpu.memref_slice %arg3[%add3A, %dma_start3A, %dma_start3A_11] : memref<32x79x128xi32, #tpu.memory_space<hbm>> -> memref<1x79x128xi32, #tpu.memory_space<hbm>>
      %dma_start3A_13 = tpu.memref_squeeze %dma_start3A_12 : memref<1x79x128xi32, #tpu.memory_space<hbm>> -> memref<79x128xi32, #tpu.memory_space<hbm>>
      %dma_start3A_14 = arith.constant 0 : i32
      %dma_start3A_15 = arith.constant 0 : i32
      %dma_start3A_16 = tpu.memref_slice %arg3[%add3A, %dma_start3A_14, %dma_start3A_15] : memref<32x79x128xi32, #tpu.memory_space<hbm>> -> memref<1x79x128xi32, #tpu.memory_space<hbm>>
      %dma_start3A_17 = tpu.memref_squeeze %dma_start3A_16 : memref<1x79x128xi32, #tpu.memory_space<hbm>> -> memref<79x128xi32, #tpu.memory_space<hbm>>
      tpu.enqueue_dma source(%dma_start3A_17 : memref<79x128xi32, #tpu.memory_space<hbm>>) target(%arg7 : memref<79x128xi32, #tpu.memory_space<vmem>>) target_semaphore(%run_scoped3A : memref<!tpu.dma_semaphore, #tpu.memory_space<semaphore_mem>>)
      %dma_wait3A = arith.constant 0 : i32
      %dma_wait3A_18 = arith.constant 0 : i32
      %dma_wait3A_19 = tpu.memref_slice %arg3[%add3A, %dma_wait3A, %dma_wait3A_18] : memref<32x79x128xi32, #tpu.memory_space<hbm>> -> memref<1x79x128xi32, #tpu.memory_space<hbm>>
      %dma_wait3A_20 = tpu.memref_squeeze %dma_wait3A_19 : memref<1x79x128xi32, #tpu.memory_space<hbm>> -> memref<79x128xi32, #tpu.memory_space<hbm>>
      %dma_wait3A_21 = arith.constant 0 : i32
      %dma_wait3A_22 = arith.constant 0 : i32
      %dma_wait3A_23 = tpu.memref_slice %arg3[%add3A, %dma_wait3A_21, %dma_wait3A_22] : memref<32x79x128xi32, #tpu.memory_space<hbm>> -> memref<1x79x128xi32, #tpu.memory_space<hbm>>
      %dma_wait3A_24 = tpu.memref_squeeze %dma_wait3A_23 : memref<1x79x128xi32, #tpu.memory_space<hbm>> -> memref<79x128xi32, #tpu.memory_space<hbm>>
      tpu.wait_dma2 semaphore(%run_scoped3A : memref<!tpu.dma_semaphore, #tpu.memory_space<semaphore_mem>>) src(%dma_wait3A_24 : memref<79x128xi32, #tpu.memory_space<hbm>>) dst(%arg7 : memref<79x128xi32, #tpu.memory_space<vmem>>)
      tpu.yield
    }) : () -> ()
    "tpu.region"() ({
      %run_scoped3A = tpu.sem_alloc : memref<!tpu.dma_semaphore, #tpu.memory_space<semaphore_mem>>
      %dma_start3A = arith.constant 0 : i32
      %dma_start3A_11 = arith.constant 0 : i32
      %dma_start3A_12 = tpu.memref_slice %arg4[%add3A, %dma_start3A, %dma_start3A_11] : memref<32x79x128xi32, #tpu.memory_space<hbm>> -> memref<1x79x128xi32, #tpu.memory_space<hbm>>
      %dma_start3A_13 = tpu.memref_squeeze %dma_start3A_12 : memref<1x79x128xi32, #tpu.memory_space<hbm>> -> memref<79x128xi32, #tpu.memory_space<hbm>>
      %dma_start3A_14 = arith.constant 0 : i32
      %dma_start3A_15 = arith.constant 0 : i32
      %dma_start3A_16 = tpu.memref_slice %arg4[%add3A, %dma_start3A_14, %dma_start3A_15] : memref<32x79x128xi32, #tpu.memory_space<hbm>> -> memref<1x79x128xi32, #tpu.memory_space<hbm>>
      %dma_start3A_17 = tpu.memref_squeeze %dma_start3A_16 : memref<1x79x128xi32, #tpu.memory_space<hbm>> -> memref<79x128xi32, #tpu.memory_space<hbm>>
      tpu.enqueue_dma source(%dma_start3A_17 : memref<79x128xi32, #tpu.memory_space<hbm>>) target(%arg8 : memref<79x128xi32, #tpu.memory_space<vmem>>) target_semaphore(%run_scoped3A : memref<!tpu.dma_semaphore, #tpu.memory_space<semaphore_mem>>)
      %dma_wait3A = arith.constant 0 : i32
      %dma_wait3A_18 = arith.constant 0 : i32
      %dma_wait3A_19 = tpu.memref_slice %arg4[%add3A, %dma_wait3A, %dma_wait3A_18] : memref<32x79x128xi32, #tpu.memory_space<hbm>> -> memref<1x79x128xi32, #tpu.memory_space<hbm>>
      %dma_wait3A_20 = tpu.memref_squeeze %dma_wait3A_19 : memref<1x79x128xi32, #tpu.memory_space<hbm>> -> memref<79x128xi32, #tpu.memory_space<hbm>>
      %dma_wait3A_21 = arith.constant 0 : i32
      %dma_wait3A_22 = arith.constant 0 : i32
      %dma_wait3A_23 = tpu.memref_slice %arg4[%add3A, %dma_wait3A_21, %dma_wait3A_22] : memref<32x79x128xi32, #tpu.memory_space<hbm>> -> memref<1x79x128xi32, #tpu.memory_space<hbm>>
      %dma_wait3A_24 = tpu.memref_squeeze %dma_wait3A_23 : memref<1x79x128xi32, #tpu.memory_space<hbm>> -> memref<79x128xi32, #tpu.memory_space<hbm>>
      tpu.wait_dma2 semaphore(%run_scoped3A : memref<!tpu.dma_semaphore, #tpu.memory_space<semaphore_mem>>) src(%dma_wait3A_24 : memref<79x128xi32, #tpu.memory_space<hbm>>) dst(%arg8 : memref<79x128xi32, #tpu.memory_space<vmem>>)
      tpu.yield
    }) : () -> ()
    %barrier3A = arith.constant 0 : index
    tpu.barrier barrier_id(%barrier3A)
    %scan3A = arith.constant 0 : i32
    %scan3A_3 = arith.constant 0 : i32
    %scan3A_4 = arith.constant 79 : i32
    %scan3A_5 = arith.addi %scan3A_3, %scan3A_4 : i32
    %scan3A_6 = arith.constant 1 : i32
    scf.for %scan3A_11 = %scan3A_3 to %scan3A_5 step %scan3A_6  : i32 {
      %dma_start3A = arith.constant 0 : i32
      %dma_start3A_12 = tpu.memref_slice %arg7[%scan3A_11, %dma_start3A] : memref<79x128xi32, #tpu.memory_space<vmem>> -> memref<1x128xi32, #tpu.memory_space<vmem>>
      %dma_start3A_13 = tpu.memref_squeeze %dma_start3A_12 : memref<1x128xi32, #tpu.memory_space<vmem>> -> memref<128xi32, #tpu.memory_space<vmem>>
      %dma_start3A_14 = arith.constant 0 : i32
      %dma_start3A_15 = arith.constant 0 : i32
      %dma_start3A_16 = tpu.memref_slice %arg2[%dma_start3A_14, %dma_start3A_15] : memref<10240x128xf32, #tpu.memory_space<hbm>> -> memref<10240x128xf32, #tpu.memory_space<hbm>>
      tpu.enqueue_indirect_dma source(%dma_start3A_16 : memref<10240x128xf32, #tpu.memory_space<hbm>>) target(%arg9 : memref<128x128xf32, #tpu.memory_space<vmem>>) offsets(%dma_start3A_13 : memref<128xi32, #tpu.memory_space<vmem>>) semaphore(%arg11 : memref<!tpu.dma_semaphore, #tpu.memory_space<semaphore_mem>>)
      %dma_wait3A = arith.constant 0 : i32
      %dma_wait3A_17 = tpu.memref_slice %arg7[%scan3A_11, %dma_wait3A] : memref<79x128xi32, #tpu.memory_space<vmem>> -> memref<1x128xi32, #tpu.memory_space<vmem>>
      %dma_wait3A_18 = tpu.memref_squeeze %dma_wait3A_17 : memref<1x128xi32, #tpu.memory_space<vmem>> -> memref<128xi32, #tpu.memory_space<vmem>>
      %dma_wait3A_19 = arith.constant 0 : i32
      %dma_wait3A_20 = arith.constant 0 : i32
      %dma_wait3A_21 = tpu.memref_slice %arg2[%dma_wait3A_19, %dma_wait3A_20] : memref<10240x128xf32, #tpu.memory_space<hbm>> -> memref<10240x128xf32, #tpu.memory_space<hbm>>
      tpu.wait_indirect_dma semaphore(%arg11 : memref<!tpu.dma_semaphore, #tpu.memory_space<semaphore_mem>>) src(%dma_wait3A_21 : memref<10240x128xf32, #tpu.memory_space<hbm>>) dst(%arg9 : memref<128x128xf32, #tpu.memory_space<vmem>>)
      "tpu.region"() ({
        %run_scoped3A = tpu.sem_alloc : memref<!tpu.dma_semaphore, #tpu.memory_space<semaphore_mem>>
        %dma_start3A_22 = arith.constant 0 : i32
        %dma_start3A_23 = tpu.memref_slice %arg8[%scan3A_11, %dma_start3A_22] : memref<79x128xi32, #tpu.memory_space<vmem>> -> memref<1x128xi32, #tpu.memory_space<vmem>>
        %dma_start3A_24 = tpu.memref_squeeze %dma_start3A_23 : memref<1x128xi32, #tpu.memory_space<vmem>> -> memref<128xi32, #tpu.memory_space<vmem>>
        %dma_start3A_25 = arith.constant 0 : i32
        %dma_start3A_26 = arith.constant 0 : i32
        %dma_start3A_27 = tpu.memref_slice %arg10[%dma_start3A_25, %dma_start3A_26] : memref<10240x128xf32, #tpu.memory_space<vmem_shared>> -> memref<10240x128xf32, #tpu.memory_space<vmem_shared>>
        tpu.enqueue_indirect_dma source(%arg9 : memref<128x128xf32, #tpu.memory_space<vmem>>) target(%dma_start3A_27 : memref<10240x128xf32, #tpu.memory_space<vmem_shared>>) offsets(%dma_start3A_24 : memref<128xi32, #tpu.memory_space<vmem>>) semaphore(%run_scoped3A : memref<!tpu.dma_semaphore, #tpu.memory_space<semaphore_mem>>) {add = true}
        %dma_wait3A_28 = arith.constant 0 : i32
        %dma_wait3A_29 = tpu.memref_slice %arg8[%scan3A_11, %dma_wait3A_28] : memref<79x128xi32, #tpu.memory_space<vmem>> -> memref<1x128xi32, #tpu.memory_space<vmem>>
        %dma_wait3A_30 = tpu.memref_squeeze %dma_wait3A_29 : memref<1x128xi32, #tpu.memory_space<vmem>> -> memref<128xi32, #tpu.memory_space<vmem>>
        %dma_wait3A_31 = arith.constant 0 : i32
        %dma_wait3A_32 = arith.constant 0 : i32
        %dma_wait3A_33 = tpu.memref_slice %arg10[%dma_wait3A_31, %dma_wait3A_32] : memref<10240x128xf32, #tpu.memory_space<vmem_shared>> -> memref<10240x128xf32, #tpu.memory_space<vmem_shared>>
        tpu.wait_indirect_dma semaphore(%run_scoped3A : memref<!tpu.dma_semaphore, #tpu.memory_space<semaphore_mem>>) src(%arg9 : memref<128x128xf32, #tpu.memory_space<vmem>>) dst(%dma_wait3A_33 : memref<10240x128xf32, #tpu.memory_space<vmem_shared>>)
        tpu.yield
      }) : () -> ()
    }
    %scan3A_7 = arith.constant 79 : i32
    %barrier3A_8 = arith.constant 0 : index
    tpu.barrier barrier_id(%barrier3A_8)
    %mul3A_9 = arith.constant 640 : i32
    %mul3A_10 = arith.muli %arg1, %mul3A_9 : i32
    "tpu.region"() ({
      %run_scoped3A = tpu.sem_alloc : memref<!tpu.dma_semaphore, #tpu.memory_space<semaphore_mem>>
      %dma_start3A = arith.constant 0 : i32
      %dma_start3A_11 = arith.constant 0 : i32
      %dma_start3A_12 = tpu.memref_slice %arg6[%add3A, %dma_start3A, %dma_start3A_11] : memref<32x640x128xf32, #tpu.memory_space<hbm>> -> memref<1x640x128xf32, #tpu.memory_space<hbm>>
      %dma_start3A_13 = tpu.memref_squeeze %dma_start3A_12 : memref<1x640x128xf32, #tpu.memory_space<hbm>> -> memref<640x128xf32, #tpu.memory_space<hbm>>
      %dma_start3A_14 = arith.constant 0 : i32
      %dma_start3A_15 = tpu.memref_slice %arg10[%mul3A_10, %dma_start3A_14] : memref<10240x128xf32, #tpu.memory_space<vmem_shared>> -> memref<640x128xf32, #tpu.memory_space<vmem_shared>>
      tpu.enqueue_dma source(%dma_start3A_15 : memref<640x128xf32, #tpu.memory_space<vmem_shared>>) target(%dma_start3A_13 : memref<640x128xf32, #tpu.memory_space<hbm>>) target_semaphore(%run_scoped3A : memref<!tpu.dma_semaphore, #tpu.memory_space<semaphore_mem>>)
      %dma_wait3A = arith.constant 0 : i32
      %dma_wait3A_16 = arith.constant 0 : i32
      %dma_wait3A_17 = tpu.memref_slice %arg6[%add3A, %dma_wait3A, %dma_wait3A_16] : memref<32x640x128xf32, #tpu.memory_space<hbm>> -> memref<1x640x128xf32, #tpu.memory_space<hbm>>
      %dma_wait3A_18 = tpu.memref_squeeze %dma_wait3A_17 : memref<1x640x128xf32, #tpu.memory_space<hbm>> -> memref<640x128xf32, #tpu.memory_space<hbm>>
      %dma_wait3A_19 = arith.constant 0 : i32
      %dma_wait3A_20 = tpu.memref_slice %arg10[%mul3A_10, %dma_wait3A_19] : memref<10240x128xf32, #tpu.memory_space<vmem_shared>> -> memref<640x128xf32, #tpu.memory_space<vmem_shared>>
      tpu.wait_dma2 semaphore(%run_scoped3A : memref<!tpu.dma_semaphore, #tpu.memory_space<semaphore_mem>>) src(%dma_wait3A_20 : memref<640x128xf32, #tpu.memory_space<vmem_shared>>) dst(%dma_wait3A_18 : memref<640x128xf32, #tpu.memory_space<hbm>>)
      tpu.yield
    }) : () -> ()
    return
  }
}

#map = affine_map<(d0, d1) -> (0, 0)>
#map1 = affine_map<(d0, d1) -> (0, 0, 0)>
module attributes {stable_mosaic.version = 14 : i64} {
  func.func @seg_kernel(%arg0: i32, %arg1: i32, %arg2: memref<10240x128xf32, #tpu.memory_space<hbm>>, %arg3: memref<32x79x128xi32, #tpu.memory_space<hbm>>, %arg4: memref<32x79x128xi32, #tpu.memory_space<hbm>>, %arg5: memref<640x128xf32, #tpu.memory_space<hbm>>, %arg6: memref<32x640x128xf32, #tpu.memory_space<hbm>>, %arg7: memref<79x128xi32, #tpu.memory_space<vmem>>, %arg8: memref<79x128xi32, #tpu.memory_space<vmem>>, %arg9: memref<128x128xf32, #tpu.memory_space<vmem>>, %arg10: memref<10240x128xf32, #tpu.memory_space<vmem_shared>>, %arg11: memref<!tpu.dma_semaphore, #tpu.memory_space<semaphore_mem>>) attributes {dimension_semantics = [#tpu.dimension_semantics<core_parallel>, #tpu.dimension_semantics<subcore_parallel>], iteration_bounds = array<i64: 2, 16>, scalar_prefetch = 0 : i64, scratch_operands = 5 : i64, tpu.core_type = #tpu.core_type<sc_vector_subcore>, window_params = [{transform_indices = #map}, {transform_indices = #map1}, {transform_indices = #map1}, {transform_indices = #map}, {transform_indices = #map1}]} {
    %mul3A = arith.constant 16 : i32
    %mul3A_0 = arith.muli %arg0, %mul3A : i32
    %add3A = arith.addi %mul3A_0, %arg1 : i32
    %mul3A_1 = arith.constant 640 : i32
    %mul3A_2 = arith.muli %arg1, %mul3A_1 : i32
    "tpu.region"() ({
      %run_scoped3A = tpu.sem_alloc : memref<!tpu.dma_semaphore, #tpu.memory_space<semaphore_mem>>
      %dma_start3A = arith.constant 0 : i32
      %dma_start3A_11 = tpu.memref_slice %arg10[%mul3A_2, %dma_start3A] : memref<10240x128xf32, #tpu.memory_space<vmem_shared>> -> memref<640x128xf32, #tpu.memory_space<vmem_shared>>
      tpu.enqueue_dma source(%arg5 : memref<640x128xf32, #tpu.memory_space<hbm>>) target(%dma_start3A_11 : memref<640x128xf32, #tpu.memory_space<vmem_shared>>) target_semaphore(%run_scoped3A : memref<!tpu.dma_semaphore, #tpu.memory_space<semaphore_mem>>)
      %dma_wait3A = arith.constant 0 : i32
      %dma_wait3A_12 = tpu.memref_slice %arg10[%mul3A_2, %dma_wait3A] : memref<10240x128xf32, #tpu.memory_space<vmem_shared>> -> memref<640x128xf32, #tpu.memory_space<vmem_shared>>
      tpu.wait_dma2 semaphore(%run_scoped3A : memref<!tpu.dma_semaphore, #tpu.memory_space<semaphore_mem>>) src(%arg5 : memref<640x128xf32, #tpu.memory_space<hbm>>) dst(%dma_wait3A_12 : memref<640x128xf32, #tpu.memory_space<vmem_shared>>)
      tpu.yield
    }) : () -> ()
    "tpu.region"() ({
      %run_scoped3A = tpu.sem_alloc : memref<!tpu.dma_semaphore, #tpu.memory_space<semaphore_mem>>
      %dma_start3A = arith.constant 0 : i32
      %dma_start3A_11 = arith.constant 0 : i32
      %dma_start3A_12 = tpu.memref_slice %arg3[%add3A, %dma_start3A, %dma_start3A_11] : memref<32x79x128xi32, #tpu.memory_space<hbm>> -> memref<1x79x128xi32, #tpu.memory_space<hbm>>
      %dma_start3A_13 = tpu.memref_squeeze %dma_start3A_12 : memref<1x79x128xi32, #tpu.memory_space<hbm>> -> memref<79x128xi32, #tpu.memory_space<hbm>>
      %dma_start3A_14 = arith.constant 0 : i32
      %dma_start3A_15 = arith.constant 0 : i32
      %dma_start3A_16 = tpu.memref_slice %arg3[%add3A, %dma_start3A_14, %dma_start3A_15] : memref<32x79x128xi32, #tpu.memory_space<hbm>> -> memref<1x79x128xi32, #tpu.memory_space<hbm>>
      %dma_start3A_17 = tpu.memref_squeeze %dma_start3A_16 : memref<1x79x128xi32, #tpu.memory_space<hbm>> -> memref<79x128xi32, #tpu.memory_space<hbm>>
      tpu.enqueue_dma source(%dma_start3A_17 : memref<79x128xi32, #tpu.memory_space<hbm>>) target(%arg7 : memref<79x128xi32, #tpu.memory_space<vmem>>) target_semaphore(%run_scoped3A : memref<!tpu.dma_semaphore, #tpu.memory_space<semaphore_mem>>)
      %dma_wait3A = arith.constant 0 : i32
      %dma_wait3A_18 = arith.constant 0 : i32
      %dma_wait3A_19 = tpu.memref_slice %arg3[%add3A, %dma_wait3A, %dma_wait3A_18] : memref<32x79x128xi32, #tpu.memory_space<hbm>> -> memref<1x79x128xi32, #tpu.memory_space<hbm>>
      %dma_wait3A_20 = tpu.memref_squeeze %dma_wait3A_19 : memref<1x79x128xi32, #tpu.memory_space<hbm>> -> memref<79x128xi32, #tpu.memory_space<hbm>>
      %dma_wait3A_21 = arith.constant 0 : i32
      %dma_wait3A_22 = arith.constant 0 : i32
      %dma_wait3A_23 = tpu.memref_slice %arg3[%add3A, %dma_wait3A_21, %dma_wait3A_22] : memref<32x79x128xi32, #tpu.memory_space<hbm>> -> memref<1x79x128xi32, #tpu.memory_space<hbm>>
      %dma_wait3A_24 = tpu.memref_squeeze %dma_wait3A_23 : memref<1x79x128xi32, #tpu.memory_space<hbm>> -> memref<79x128xi32, #tpu.memory_space<hbm>>
      tpu.wait_dma2 semaphore(%run_scoped3A : memref<!tpu.dma_semaphore, #tpu.memory_space<semaphore_mem>>) src(%dma_wait3A_24 : memref<79x128xi32, #tpu.memory_space<hbm>>) dst(%arg7 : memref<79x128xi32, #tpu.memory_space<vmem>>)
      tpu.yield
    }) : () -> ()
    "tpu.region"() ({
      %run_scoped3A = tpu.sem_alloc : memref<!tpu.dma_semaphore, #tpu.memory_space<semaphore_mem>>
      %dma_start3A = arith.constant 0 : i32
      %dma_start3A_11 = arith.constant 0 : i32
      %dma_start3A_12 = tpu.memref_slice %arg4[%add3A, %dma_start3A, %dma_start3A_11] : memref<32x79x128xi32, #tpu.memory_space<hbm>> -> memref<1x79x128xi32, #tpu.memory_space<hbm>>
      %dma_start3A_13 = tpu.memref_squeeze %dma_start3A_12 : memref<1x79x128xi32, #tpu.memory_space<hbm>> -> memref<79x128xi32, #tpu.memory_space<hbm>>
      %dma_start3A_14 = arith.constant 0 : i32
      %dma_start3A_15 = arith.constant 0 : i32
      %dma_start3A_16 = tpu.memref_slice %arg4[%add3A, %dma_start3A_14, %dma_start3A_15] : memref<32x79x128xi32, #tpu.memory_space<hbm>> -> memref<1x79x128xi32, #tpu.memory_space<hbm>>
      %dma_start3A_17 = tpu.memref_squeeze %dma_start3A_16 : memref<1x79x128xi32, #tpu.memory_space<hbm>> -> memref<79x128xi32, #tpu.memory_space<hbm>>
      tpu.enqueue_dma source(%dma_start3A_17 : memref<79x128xi32, #tpu.memory_space<hbm>>) target(%arg8 : memref<79x128xi32, #tpu.memory_space<vmem>>) target_semaphore(%run_scoped3A : memref<!tpu.dma_semaphore, #tpu.memory_space<semaphore_mem>>)
      %dma_wait3A = arith.constant 0 : i32
      %dma_wait3A_18 = arith.constant 0 : i32
      %dma_wait3A_19 = tpu.memref_slice %arg4[%add3A, %dma_wait3A, %dma_wait3A_18] : memref<32x79x128xi32, #tpu.memory_space<hbm>> -> memref<1x79x128xi32, #tpu.memory_space<hbm>>
      %dma_wait3A_20 = tpu.memref_squeeze %dma_wait3A_19 : memref<1x79x128xi32, #tpu.memory_space<hbm>> -> memref<79x128xi32, #tpu.memory_space<hbm>>
      %dma_wait3A_21 = arith.constant 0 : i32
      %dma_wait3A_22 = arith.constant 0 : i32
      %dma_wait3A_23 = tpu.memref_slice %arg4[%add3A, %dma_wait3A_21, %dma_wait3A_22] : memref<32x79x128xi32, #tpu.memory_space<hbm>> -> memref<1x79x128xi32, #tpu.memory_space<hbm>>
      %dma_wait3A_24 = tpu.memref_squeeze %dma_wait3A_23 : memref<1x79x128xi32, #tpu.memory_space<hbm>> -> memref<79x128xi32, #tpu.memory_space<hbm>>
      tpu.wait_dma2 semaphore(%run_scoped3A : memref<!tpu.dma_semaphore, #tpu.memory_space<semaphore_mem>>) src(%dma_wait3A_24 : memref<79x128xi32, #tpu.memory_space<hbm>>) dst(%arg8 : memref<79x128xi32, #tpu.memory_space<vmem>>)
      tpu.yield
    }) : () -> ()
    %barrier3A = arith.constant 0 : index
    tpu.barrier barrier_id(%barrier3A)
    %scan3A = arith.constant 0 : i32
    %scan3A_3 = arith.constant 0 : i32
    %scan3A_4 = arith.constant 79 : i32
    %scan3A_5 = arith.addi %scan3A_3, %scan3A_4 : i32
    %scan3A_6 = arith.constant 1 : i32
    scf.for %scan3A_11 = %scan3A_3 to %scan3A_5 step %scan3A_6  : i32 {
      %dma_start3A = arith.constant 0 : i32
      %dma_start3A_12 = tpu.memref_slice %arg7[%scan3A_11, %dma_start3A] : memref<79x128xi32, #tpu.memory_space<vmem>> -> memref<1x128xi32, #tpu.memory_space<vmem>>
      %dma_start3A_13 = tpu.memref_squeeze %dma_start3A_12 : memref<1x128xi32, #tpu.memory_space<vmem>> -> memref<128xi32, #tpu.memory_space<vmem>>
      %dma_start3A_14 = arith.constant 0 : i32
      %dma_start3A_15 = arith.constant 0 : i32
      %dma_start3A_16 = tpu.memref_slice %arg2[%dma_start3A_14, %dma_start3A_15] : memref<10240x128xf32, #tpu.memory_space<hbm>> -> memref<10240x128xf32, #tpu.memory_space<hbm>>
      tpu.enqueue_indirect_dma source(%dma_start3A_16 : memref<10240x128xf32, #tpu.memory_space<hbm>>) target(%arg9 : memref<128x128xf32, #tpu.memory_space<vmem>>) offsets(%dma_start3A_13 : memref<128xi32, #tpu.memory_space<vmem>>) semaphore(%arg11 : memref<!tpu.dma_semaphore, #tpu.memory_space<semaphore_mem>>)
      %dma_wait3A = arith.constant 0 : i32
      %dma_wait3A_17 = tpu.memref_slice %arg7[%scan3A_11, %dma_wait3A] : memref<79x128xi32, #tpu.memory_space<vmem>> -> memref<1x128xi32, #tpu.memory_space<vmem>>
      %dma_wait3A_18 = tpu.memref_squeeze %dma_wait3A_17 : memref<1x128xi32, #tpu.memory_space<vmem>> -> memref<128xi32, #tpu.memory_space<vmem>>
      %dma_wait3A_19 = arith.constant 0 : i32
      %dma_wait3A_20 = arith.constant 0 : i32
      %dma_wait3A_21 = tpu.memref_slice %arg2[%dma_wait3A_19, %dma_wait3A_20] : memref<10240x128xf32, #tpu.memory_space<hbm>> -> memref<10240x128xf32, #tpu.memory_space<hbm>>
      tpu.wait_indirect_dma semaphore(%arg11 : memref<!tpu.dma_semaphore, #tpu.memory_space<semaphore_mem>>) src(%dma_wait3A_21 : memref<10240x128xf32, #tpu.memory_space<hbm>>) dst(%arg9 : memref<128x128xf32, #tpu.memory_space<vmem>>)
      "tpu.region"() ({
        %run_scoped3A = tpu.sem_alloc : memref<!tpu.dma_semaphore, #tpu.memory_space<semaphore_mem>>
        %dma_start3A_22 = arith.constant 0 : i32
        %dma_start3A_23 = tpu.memref_slice %arg8[%scan3A_11, %dma_start3A_22] : memref<79x128xi32, #tpu.memory_space<vmem>> -> memref<1x128xi32, #tpu.memory_space<vmem>>
        %dma_start3A_24 = tpu.memref_squeeze %dma_start3A_23 : memref<1x128xi32, #tpu.memory_space<vmem>> -> memref<128xi32, #tpu.memory_space<vmem>>
        %dma_start3A_25 = arith.constant 0 : i32
        %dma_start3A_26 = arith.constant 0 : i32
        %dma_start3A_27 = tpu.memref_slice %arg10[%dma_start3A_25, %dma_start3A_26] : memref<10240x128xf32, #tpu.memory_space<vmem_shared>> -> memref<10240x128xf32, #tpu.memory_space<vmem_shared>>
        tpu.enqueue_indirect_dma source(%arg9 : memref<128x128xf32, #tpu.memory_space<vmem>>) target(%dma_start3A_27 : memref<10240x128xf32, #tpu.memory_space<vmem_shared>>) offsets(%dma_start3A_24 : memref<128xi32, #tpu.memory_space<vmem>>) semaphore(%run_scoped3A : memref<!tpu.dma_semaphore, #tpu.memory_space<semaphore_mem>>) {add = true}
        %dma_wait3A_28 = arith.constant 0 : i32
        %dma_wait3A_29 = tpu.memref_slice %arg8[%scan3A_11, %dma_wait3A_28] : memref<79x128xi32, #tpu.memory_space<vmem>> -> memref<1x128xi32, #tpu.memory_space<vmem>>
        %dma_wait3A_30 = tpu.memref_squeeze %dma_wait3A_29 : memref<1x128xi32, #tpu.memory_space<vmem>> -> memref<128xi32, #tpu.memory_space<vmem>>
        %dma_wait3A_31 = arith.constant 0 : i32
        %dma_wait3A_32 = arith.constant 0 : i32
        %dma_wait3A_33 = tpu.memref_slice %arg10[%dma_wait3A_31, %dma_wait3A_32] : memref<10240x128xf32, #tpu.memory_space<vmem_shared>> -> memref<10240x128xf32, #tpu.memory_space<vmem_shared>>
        tpu.wait_indirect_dma semaphore(%run_scoped3A : memref<!tpu.dma_semaphore, #tpu.memory_space<semaphore_mem>>) src(%arg9 : memref<128x128xf32, #tpu.memory_space<vmem>>) dst(%dma_wait3A_33 : memref<10240x128xf32, #tpu.memory_space<vmem_shared>>)
        tpu.yield
      }) : () -> ()
    }
    %scan3A_7 = arith.constant 79 : i32
    %barrier3A_8 = arith.constant 0 : index
    tpu.barrier barrier_id(%barrier3A_8)
    %mul3A_9 = arith.constant 640 : i32
    %mul3A_10 = arith.muli %arg1, %mul3A_9 : i32
    "tpu.region"() ({
      %run_scoped3A = tpu.sem_alloc : memref<!tpu.dma_semaphore, #tpu.memory_space<semaphore_mem>>
      %dma_start3A = arith.constant 0 : i32
      %dma_start3A_11 = arith.constant 0 : i32
      %dma_start3A_12 = tpu.memref_slice %arg6[%add3A, %dma_start3A, %dma_start3A_11] : memref<32x640x128xf32, #tpu.memory_space<hbm>> -> memref<1x640x128xf32, #tpu.memory_space<hbm>>
      %dma_start3A_13 = tpu.memref_squeeze %dma_start3A_12 : memref<1x640x128xf32, #tpu.memory_space<hbm>> -> memref<640x128xf32, #tpu.memory_space<hbm>>
      %dma_start3A_14 = arith.constant 0 : i32
      %dma_start3A_15 = tpu.memref_slice %arg10[%mul3A_10, %dma_start3A_14] : memref<10240x128xf32, #tpu.memory_space<vmem_shared>> -> memref<640x128xf32, #tpu.memory_space<vmem_shared>>
      tpu.enqueue_dma source(%dma_start3A_15 : memref<640x128xf32, #tpu.memory_space<vmem_shared>>) target(%dma_start3A_13 : memref<640x128xf32, #tpu.memory_space<hbm>>) target_semaphore(%run_scoped3A : memref<!tpu.dma_semaphore, #tpu.memory_space<semaphore_mem>>)
      %dma_wait3A = arith.constant 0 : i32
      %dma_wait3A_16 = arith.constant 0 : i32
      %dma_wait3A_17 = tpu.memref_slice %arg6[%add3A, %dma_wait3A, %dma_wait3A_16] : memref<32x640x128xf32, #tpu.memory_space<hbm>> -> memref<1x640x128xf32, #tpu.memory_space<hbm>>
      %dma_wait3A_18 = tpu.memref_squeeze %dma_wait3A_17 : memref<1x640x128xf32, #tpu.memory_space<hbm>> -> memref<640x128xf32, #tpu.memory_space<hbm>>
      %dma_wait3A_19 = arith.constant 0 : i32
      %dma_wait3A_20 = tpu.memref_slice %arg10[%mul3A_10, %dma_wait3A_19] : memref<10240x128xf32, #tpu.memory_space<vmem_shared>> -> memref<640x128xf32, #tpu.memory_space<vmem_shared>>
      tpu.wait_dma2 semaphore(%run_scoped3A : memref<!tpu.dma_semaphore, #tpu.memory_space<semaphore_mem>>) src(%dma_wait3A_20 : memref<640x128xf32, #tpu.memory_space<vmem_shared>>) dst(%dma_wait3A_18 : memref<640x128xf32, #tpu.memory_space<hbm>>)
      tpu.yield
    }) : () -> ()
    return
  }
}

#map = affine_map<(d0, d1) -> (0, 0)>
#map1 = affine_map<(d0, d1) -> (0, 0, 0)>
module attributes {stable_mosaic.version = 14 : i64} {
  func.func @seg_kernel(%arg0: i32, %arg1: i32, %arg2: memref<10240x128xf32, #tpu.memory_space<hbm>>, %arg3: memref<32x79x128xi32, #tpu.memory_space<hbm>>, %arg4: memref<32x79x128xi32, #tpu.memory_space<hbm>>, %arg5: memref<640x128xf32, #tpu.memory_space<hbm>>, %arg6: memref<32x640x128xf32, #tpu.memory_space<hbm>>, %arg7: memref<79x128xi32, #tpu.memory_space<vmem>>, %arg8: memref<79x128xi32, #tpu.memory_space<vmem>>, %arg9: memref<128x128xf32, #tpu.memory_space<vmem>>, %arg10: memref<10240x128xf32, #tpu.memory_space<vmem_shared>>, %arg11: memref<!tpu.dma_semaphore, #tpu.memory_space<semaphore_mem>>) attributes {dimension_semantics = [#tpu.dimension_semantics<core_parallel>, #tpu.dimension_semantics<subcore_parallel>], iteration_bounds = array<i64: 2, 16>, scalar_prefetch = 0 : i64, scratch_operands = 5 : i64, tpu.core_type = #tpu.core_type<sc_vector_subcore>, window_params = [{transform_indices = #map}, {transform_indices = #map1}, {transform_indices = #map1}, {transform_indices = #map}, {transform_indices = #map1}]} {
    %mul3A = arith.constant 16 : i32
    %mul3A_0 = arith.muli %arg0, %mul3A : i32
    %add3A = arith.addi %mul3A_0, %arg1 : i32
    %mul3A_1 = arith.constant 640 : i32
    %mul3A_2 = arith.muli %arg1, %mul3A_1 : i32
    "tpu.region"() ({
      %run_scoped3A = tpu.sem_alloc : memref<!tpu.dma_semaphore, #tpu.memory_space<semaphore_mem>>
      %dma_start3A = arith.constant 0 : i32
      %dma_start3A_11 = tpu.memref_slice %arg10[%mul3A_2, %dma_start3A] : memref<10240x128xf32, #tpu.memory_space<vmem_shared>> -> memref<640x128xf32, #tpu.memory_space<vmem_shared>>
      tpu.enqueue_dma source(%arg5 : memref<640x128xf32, #tpu.memory_space<hbm>>) target(%dma_start3A_11 : memref<640x128xf32, #tpu.memory_space<vmem_shared>>) target_semaphore(%run_scoped3A : memref<!tpu.dma_semaphore, #tpu.memory_space<semaphore_mem>>)
      %dma_wait3A = arith.constant 0 : i32
      %dma_wait3A_12 = tpu.memref_slice %arg10[%mul3A_2, %dma_wait3A] : memref<10240x128xf32, #tpu.memory_space<vmem_shared>> -> memref<640x128xf32, #tpu.memory_space<vmem_shared>>
      tpu.wait_dma2 semaphore(%run_scoped3A : memref<!tpu.dma_semaphore, #tpu.memory_space<semaphore_mem>>) src(%arg5 : memref<640x128xf32, #tpu.memory_space<hbm>>) dst(%dma_wait3A_12 : memref<640x128xf32, #tpu.memory_space<vmem_shared>>)
      tpu.yield
    }) : () -> ()
    "tpu.region"() ({
      %run_scoped3A = tpu.sem_alloc : memref<!tpu.dma_semaphore, #tpu.memory_space<semaphore_mem>>
      %dma_start3A = arith.constant 0 : i32
      %dma_start3A_11 = arith.constant 0 : i32
      %dma_start3A_12 = tpu.memref_slice %arg3[%add3A, %dma_start3A, %dma_start3A_11] : memref<32x79x128xi32, #tpu.memory_space<hbm>> -> memref<1x79x128xi32, #tpu.memory_space<hbm>>
      %dma_start3A_13 = tpu.memref_squeeze %dma_start3A_12 : memref<1x79x128xi32, #tpu.memory_space<hbm>> -> memref<79x128xi32, #tpu.memory_space<hbm>>
      %dma_start3A_14 = arith.constant 0 : i32
      %dma_start3A_15 = arith.constant 0 : i32
      %dma_start3A_16 = tpu.memref_slice %arg3[%add3A, %dma_start3A_14, %dma_start3A_15] : memref<32x79x128xi32, #tpu.memory_space<hbm>> -> memref<1x79x128xi32, #tpu.memory_space<hbm>>
      %dma_start3A_17 = tpu.memref_squeeze %dma_start3A_16 : memref<1x79x128xi32, #tpu.memory_space<hbm>> -> memref<79x128xi32, #tpu.memory_space<hbm>>
      tpu.enqueue_dma source(%dma_start3A_17 : memref<79x128xi32, #tpu.memory_space<hbm>>) target(%arg7 : memref<79x128xi32, #tpu.memory_space<vmem>>) target_semaphore(%run_scoped3A : memref<!tpu.dma_semaphore, #tpu.memory_space<semaphore_mem>>)
      %dma_wait3A = arith.constant 0 : i32
      %dma_wait3A_18 = arith.constant 0 : i32
      %dma_wait3A_19 = tpu.memref_slice %arg3[%add3A, %dma_wait3A, %dma_wait3A_18] : memref<32x79x128xi32, #tpu.memory_space<hbm>> -> memref<1x79x128xi32, #tpu.memory_space<hbm>>
      %dma_wait3A_20 = tpu.memref_squeeze %dma_wait3A_19 : memref<1x79x128xi32, #tpu.memory_space<hbm>> -> memref<79x128xi32, #tpu.memory_space<hbm>>
      %dma_wait3A_21 = arith.constant 0 : i32
      %dma_wait3A_22 = arith.constant 0 : i32
      %dma_wait3A_23 = tpu.memref_slice %arg3[%add3A, %dma_wait3A_21, %dma_wait3A_22] : memref<32x79x128xi32, #tpu.memory_space<hbm>> -> memref<1x79x128xi32, #tpu.memory_space<hbm>>
      %dma_wait3A_24 = tpu.memref_squeeze %dma_wait3A_23 : memref<1x79x128xi32, #tpu.memory_space<hbm>> -> memref<79x128xi32, #tpu.memory_space<hbm>>
      tpu.wait_dma2 semaphore(%run_scoped3A : memref<!tpu.dma_semaphore, #tpu.memory_space<semaphore_mem>>) src(%dma_wait3A_24 : memref<79x128xi32, #tpu.memory_space<hbm>>) dst(%arg7 : memref<79x128xi32, #tpu.memory_space<vmem>>)
      tpu.yield
    }) : () -> ()
    "tpu.region"() ({
      %run_scoped3A = tpu.sem_alloc : memref<!tpu.dma_semaphore, #tpu.memory_space<semaphore_mem>>
      %dma_start3A = arith.constant 0 : i32
      %dma_start3A_11 = arith.constant 0 : i32
      %dma_start3A_12 = tpu.memref_slice %arg4[%add3A, %dma_start3A, %dma_start3A_11] : memref<32x79x128xi32, #tpu.memory_space<hbm>> -> memref<1x79x128xi32, #tpu.memory_space<hbm>>
      %dma_start3A_13 = tpu.memref_squeeze %dma_start3A_12 : memref<1x79x128xi32, #tpu.memory_space<hbm>> -> memref<79x128xi32, #tpu.memory_space<hbm>>
      %dma_start3A_14 = arith.constant 0 : i32
      %dma_start3A_15 = arith.constant 0 : i32
      %dma_start3A_16 = tpu.memref_slice %arg4[%add3A, %dma_start3A_14, %dma_start3A_15] : memref<32x79x128xi32, #tpu.memory_space<hbm>> -> memref<1x79x128xi32, #tpu.memory_space<hbm>>
      %dma_start3A_17 = tpu.memref_squeeze %dma_start3A_16 : memref<1x79x128xi32, #tpu.memory_space<hbm>> -> memref<79x128xi32, #tpu.memory_space<hbm>>
      tpu.enqueue_dma source(%dma_start3A_17 : memref<79x128xi32, #tpu.memory_space<hbm>>) target(%arg8 : memref<79x128xi32, #tpu.memory_space<vmem>>) target_semaphore(%run_scoped3A : memref<!tpu.dma_semaphore, #tpu.memory_space<semaphore_mem>>)
      %dma_wait3A = arith.constant 0 : i32
      %dma_wait3A_18 = arith.constant 0 : i32
      %dma_wait3A_19 = tpu.memref_slice %arg4[%add3A, %dma_wait3A, %dma_wait3A_18] : memref<32x79x128xi32, #tpu.memory_space<hbm>> -> memref<1x79x128xi32, #tpu.memory_space<hbm>>
      %dma_wait3A_20 = tpu.memref_squeeze %dma_wait3A_19 : memref<1x79x128xi32, #tpu.memory_space<hbm>> -> memref<79x128xi32, #tpu.memory_space<hbm>>
      %dma_wait3A_21 = arith.constant 0 : i32
      %dma_wait3A_22 = arith.constant 0 : i32
      %dma_wait3A_23 = tpu.memref_slice %arg4[%add3A, %dma_wait3A_21, %dma_wait3A_22] : memref<32x79x128xi32, #tpu.memory_space<hbm>> -> memref<1x79x128xi32, #tpu.memory_space<hbm>>
      %dma_wait3A_24 = tpu.memref_squeeze %dma_wait3A_23 : memref<1x79x128xi32, #tpu.memory_space<hbm>> -> memref<79x128xi32, #tpu.memory_space<hbm>>
      tpu.wait_dma2 semaphore(%run_scoped3A : memref<!tpu.dma_semaphore, #tpu.memory_space<semaphore_mem>>) src(%dma_wait3A_24 : memref<79x128xi32, #tpu.memory_space<hbm>>) dst(%arg8 : memref<79x128xi32, #tpu.memory_space<vmem>>)
      tpu.yield
    }) : () -> ()
    %barrier3A = arith.constant 0 : index
    tpu.barrier barrier_id(%barrier3A)
    %scan3A = arith.constant 0 : i32
    %scan3A_3 = arith.constant 0 : i32
    %scan3A_4 = arith.constant 79 : i32
    %scan3A_5 = arith.addi %scan3A_3, %scan3A_4 : i32
    %scan3A_6 = arith.constant 1 : i32
    scf.for %scan3A_11 = %scan3A_3 to %scan3A_5 step %scan3A_6  : i32 {
      %dma_start3A = arith.constant 0 : i32
      %dma_start3A_12 = tpu.memref_slice %arg7[%scan3A_11, %dma_start3A] : memref<79x128xi32, #tpu.memory_space<vmem>> -> memref<1x128xi32, #tpu.memory_space<vmem>>
      %dma_start3A_13 = tpu.memref_squeeze %dma_start3A_12 : memref<1x128xi32, #tpu.memory_space<vmem>> -> memref<128xi32, #tpu.memory_space<vmem>>
      %dma_start3A_14 = arith.constant 0 : i32
      %dma_start3A_15 = arith.constant 0 : i32
      %dma_start3A_16 = tpu.memref_slice %arg2[%dma_start3A_14, %dma_start3A_15] : memref<10240x128xf32, #tpu.memory_space<hbm>> -> memref<10240x128xf32, #tpu.memory_space<hbm>>
      tpu.enqueue_indirect_dma source(%dma_start3A_16 : memref<10240x128xf32, #tpu.memory_space<hbm>>) target(%arg9 : memref<128x128xf32, #tpu.memory_space<vmem>>) offsets(%dma_start3A_13 : memref<128xi32, #tpu.memory_space<vmem>>) semaphore(%arg11 : memref<!tpu.dma_semaphore, #tpu.memory_space<semaphore_mem>>)
      %dma_wait3A = arith.constant 0 : i32
      %dma_wait3A_17 = tpu.memref_slice %arg7[%scan3A_11, %dma_wait3A] : memref<79x128xi32, #tpu.memory_space<vmem>> -> memref<1x128xi32, #tpu.memory_space<vmem>>
      %dma_wait3A_18 = tpu.memref_squeeze %dma_wait3A_17 : memref<1x128xi32, #tpu.memory_space<vmem>> -> memref<128xi32, #tpu.memory_space<vmem>>
      %dma_wait3A_19 = arith.constant 0 : i32
      %dma_wait3A_20 = arith.constant 0 : i32
      %dma_wait3A_21 = tpu.memref_slice %arg2[%dma_wait3A_19, %dma_wait3A_20] : memref<10240x128xf32, #tpu.memory_space<hbm>> -> memref<10240x128xf32, #tpu.memory_space<hbm>>
      tpu.wait_indirect_dma semaphore(%arg11 : memref<!tpu.dma_semaphore, #tpu.memory_space<semaphore_mem>>) src(%dma_wait3A_21 : memref<10240x128xf32, #tpu.memory_space<hbm>>) dst(%arg9 : memref<128x128xf32, #tpu.memory_space<vmem>>)
      "tpu.region"() ({
        %run_scoped3A = tpu.sem_alloc : memref<!tpu.dma_semaphore, #tpu.memory_space<semaphore_mem>>
        %dma_start3A_22 = arith.constant 0 : i32
        %dma_start3A_23 = tpu.memref_slice %arg8[%scan3A_11, %dma_start3A_22] : memref<79x128xi32, #tpu.memory_space<vmem>> -> memref<1x128xi32, #tpu.memory_space<vmem>>
        %dma_start3A_24 = tpu.memref_squeeze %dma_start3A_23 : memref<1x128xi32, #tpu.memory_space<vmem>> -> memref<128xi32, #tpu.memory_space<vmem>>
        %dma_start3A_25 = arith.constant 0 : i32
        %dma_start3A_26 = arith.constant 0 : i32
        %dma_start3A_27 = tpu.memref_slice %arg10[%dma_start3A_25, %dma_start3A_26] : memref<10240x128xf32, #tpu.memory_space<vmem_shared>> -> memref<10240x128xf32, #tpu.memory_space<vmem_shared>>
        tpu.enqueue_indirect_dma source(%arg9 : memref<128x128xf32, #tpu.memory_space<vmem>>) target(%dma_start3A_27 : memref<10240x128xf32, #tpu.memory_space<vmem_shared>>) offsets(%dma_start3A_24 : memref<128xi32, #tpu.memory_space<vmem>>) semaphore(%run_scoped3A : memref<!tpu.dma_semaphore, #tpu.memory_space<semaphore_mem>>) {add = true}
        %dma_wait3A_28 = arith.constant 0 : i32
        %dma_wait3A_29 = tpu.memref_slice %arg8[%scan3A_11, %dma_wait3A_28] : memref<79x128xi32, #tpu.memory_space<vmem>> -> memref<1x128xi32, #tpu.memory_space<vmem>>
        %dma_wait3A_30 = tpu.memref_squeeze %dma_wait3A_29 : memref<1x128xi32, #tpu.memory_space<vmem>> -> memref<128xi32, #tpu.memory_space<vmem>>
        %dma_wait3A_31 = arith.constant 0 : i32
        %dma_wait3A_32 = arith.constant 0 : i32
        %dma_wait3A_33 = tpu.memref_slice %arg10[%dma_wait3A_31, %dma_wait3A_32] : memref<10240x128xf32, #tpu.memory_space<vmem_shared>> -> memref<10240x128xf32, #tpu.memory_space<vmem_shared>>
        tpu.wait_indirect_dma semaphore(%run_scoped3A : memref<!tpu.dma_semaphore, #tpu.memory_space<semaphore_mem>>) src(%arg9 : memref<128x128xf32, #tpu.memory_space<vmem>>) dst(%dma_wait3A_33 : memref<10240x128xf32, #tpu.memory_space<vmem_shared>>)
        tpu.yield
      }) : () -> ()
    }
    %scan3A_7 = arith.constant 79 : i32
    %barrier3A_8 = arith.constant 0 : index
    tpu.barrier barrier_id(%barrier3A_8)
    %mul3A_9 = arith.constant 640 : i32
    %mul3A_10 = arith.muli %arg1, %mul3A_9 : i32
    "tpu.region"() ({
      %run_scoped3A = tpu.sem_alloc : memref<!tpu.dma_semaphore, #tpu.memory_space<semaphore_mem>>
      %dma_start3A = arith.constant 0 : i32
      %dma_start3A_11 = arith.constant 0 : i32
      %dma_start3A_12 = tpu.memref_slice %arg6[%add3A, %dma_start3A, %dma_start3A_11] : memref<32x640x128xf32, #tpu.memory_space<hbm>> -> memref<1x640x128xf32, #tpu.memory_space<hbm>>
      %dma_start3A_13 = tpu.memref_squeeze %dma_start3A_12 : memref<1x640x128xf32, #tpu.memory_space<hbm>> -> memref<640x128xf32, #tpu.memory_space<hbm>>
      %dma_start3A_14 = arith.constant 0 : i32
      %dma_start3A_15 = tpu.memref_slice %arg10[%mul3A_10, %dma_start3A_14] : memref<10240x128xf32, #tpu.memory_space<vmem_shared>> -> memref<640x128xf32, #tpu.memory_space<vmem_shared>>
      tpu.enqueue_dma source(%dma_start3A_15 : memref<640x128xf32, #tpu.memory_space<vmem_shared>>) target(%dma_start3A_13 : memref<640x128xf32, #tpu.memory_space<hbm>>) target_semaphore(%run_scoped3A : memref<!tpu.dma_semaphore, #tpu.memory_space<semaphore_mem>>)
      %dma_wait3A = arith.constant 0 : i32
      %dma_wait3A_16 = arith.constant 0 : i32
      %dma_wait3A_17 = tpu.memref_slice %arg6[%add3A, %dma_wait3A, %dma_wait3A_16] : memref<32x640x128xf32, #tpu.memory_space<hbm>> -> memref<1x640x128xf32, #tpu.memory_space<hbm>>
      %dma_wait3A_18 = tpu.memref_squeeze %dma_wait3A_17 : memref<1x640x128xf32, #tpu.memory_space<hbm>> -> memref<640x128xf32, #tpu.memory_space<hbm>>
      %dma_wait3A_19 = arith.constant 0 : i32
      %dma_wait3A_20 = tpu.memref_slice %arg10[%mul3A_10, %dma_wait3A_19] : memref<10240x128xf32, #tpu.memory_space<vmem_shared>> -> memref<640x128xf32, #tpu.memory_space<vmem_shared>>
      tpu.wait_dma2 semaphore(%run_scoped3A : memref<!tpu.dma_semaphore, #tpu.memory_space<semaphore_mem>>) src(%dma_wait3A_20 : memref<640x128xf32, #tpu.memory_space<vmem_shared>>) dst(%dma_wait3A_18 : memref<640x128xf32, #tpu.memory_space<hbm>>)
      tpu.yield
    }) : () -> ()
    return
  }
}

#map = affine_map<(d0, d1) -> (0, 0)>
#map1 = affine_map<(d0, d1) -> (0, 0, 0)>
module attributes {stable_mosaic.version = 14 : i64} {
  func.func @pool_kernel(%arg0: i32, %arg1: i32, %arg2: memref<12288x128xf32, #tpu.memory_space<hbm>>, %arg3: memref<32x3x128xi32, #tpu.memory_space<hbm>>, %arg4: memref<544x128xf32, #tpu.memory_space<hbm>>, %arg5: memref<2x544x128xf32, #tpu.memory_space<hbm>>, %arg6: memref<3x128xi32, #tpu.memory_space<vmem>>, %arg7: memref<384x128xf32, #tpu.memory_space<vmem>>, %arg8: memref<544x128xf32, #tpu.memory_space<vmem_shared>>) attributes {dimension_semantics = [#tpu.dimension_semantics<core_parallel>, #tpu.dimension_semantics<subcore_parallel>], iteration_bounds = array<i64: 2, 16>, scalar_prefetch = 0 : i64, scratch_operands = 3 : i64, tpu.core_type = #tpu.core_type<sc_vector_subcore>, window_params = [{transform_indices = #map}, {transform_indices = #map1}, {transform_indices = #map}, {transform_indices = #map1}]} {
    %mul3A = arith.constant 16 : i32
    %mul3A_0 = arith.muli %arg0, %mul3A : i32
    %add3A = arith.addi %mul3A_0, %arg1 : i32
    %eq3A = arith.constant 0 : i32
    %eq3A_1 = arith.cmpi eq, %arg1, %eq3A : i32
    %convert_element_type3A = arith.extui %eq3A_1 : i1 to i32
    %cond3A = arith.constant 0 : i32
    %cond3A_2 = arith.cmpi ne, %convert_element_type3A, %cond3A : i32
    scf.if %cond3A_2 {
      "tpu.region"() ({
        %run_scoped3A_13 = tpu.sem_alloc : memref<!tpu.dma_semaphore, #tpu.memory_space<semaphore_mem>>
        tpu.enqueue_dma source(%arg4 : memref<544x128xf32, #tpu.memory_space<hbm>>) target(%arg8 : memref<544x128xf32, #tpu.memory_space<vmem_shared>>) target_semaphore(%run_scoped3A_13 : memref<!tpu.dma_semaphore, #tpu.memory_space<semaphore_mem>>)
        tpu.wait_dma2 semaphore(%run_scoped3A_13 : memref<!tpu.dma_semaphore, #tpu.memory_space<semaphore_mem>>) src(%arg4 : memref<544x128xf32, #tpu.memory_space<hbm>>) dst(%arg8 : memref<544x128xf32, #tpu.memory_space<vmem_shared>>)
        tpu.yield
      }) : () -> ()
    } else {
    }
    "tpu.region"() ({
      %run_scoped3A_13 = tpu.sem_alloc : memref<!tpu.dma_semaphore, #tpu.memory_space<semaphore_mem>>
      %dma_start3A = arith.constant 0 : i32
      %dma_start3A_14 = arith.constant 0 : i32
      %dma_start3A_15 = tpu.memref_slice %arg3[%add3A, %dma_start3A, %dma_start3A_14] : memref<32x3x128xi32, #tpu.memory_space<hbm>> -> memref<1x3x128xi32, #tpu.memory_space<hbm>>
      %dma_start3A_16 = tpu.memref_squeeze %dma_start3A_15 : memref<1x3x128xi32, #tpu.memory_space<hbm>> -> memref<3x128xi32, #tpu.memory_space<hbm>>
      %dma_start3A_17 = arith.constant 0 : i32
      %dma_start3A_18 = arith.constant 0 : i32
      %dma_start3A_19 = tpu.memref_slice %arg3[%add3A, %dma_start3A_17, %dma_start3A_18] : memref<32x3x128xi32, #tpu.memory_space<hbm>> -> memref<1x3x128xi32, #tpu.memory_space<hbm>>
      %dma_start3A_20 = tpu.memref_squeeze %dma_start3A_19 : memref<1x3x128xi32, #tpu.memory_space<hbm>> -> memref<3x128xi32, #tpu.memory_space<hbm>>
      tpu.enqueue_dma source(%dma_start3A_20 : memref<3x128xi32, #tpu.memory_space<hbm>>) target(%arg6 : memref<3x128xi32, #tpu.memory_space<vmem>>) target_semaphore(%run_scoped3A_13 : memref<!tpu.dma_semaphore, #tpu.memory_space<semaphore_mem>>)
      %dma_wait3A = arith.constant 0 : i32
      %dma_wait3A_21 = arith.constant 0 : i32
      %dma_wait3A_22 = tpu.memref_slice %arg3[%add3A, %dma_wait3A, %dma_wait3A_21] : memref<32x3x128xi32, #tpu.memory_space<hbm>> -> memref<1x3x128xi32, #tpu.memory_space<hbm>>
      %dma_wait3A_23 = tpu.memref_squeeze %dma_wait3A_22 : memref<1x3x128xi32, #tpu.memory_space<hbm>> -> memref<3x128xi32, #tpu.memory_space<hbm>>
      %dma_wait3A_24 = arith.constant 0 : i32
      %dma_wait3A_25 = arith.constant 0 : i32
      %dma_wait3A_26 = tpu.memref_slice %arg3[%add3A, %dma_wait3A_24, %dma_wait3A_25] : memref<32x3x128xi32, #tpu.memory_space<hbm>> -> memref<1x3x128xi32, #tpu.memory_space<hbm>>
      %dma_wait3A_27 = tpu.memref_squeeze %dma_wait3A_26 : memref<1x3x128xi32, #tpu.memory_space<hbm>> -> memref<3x128xi32, #tpu.memory_space<hbm>>
      tpu.wait_dma2 semaphore(%run_scoped3A_13 : memref<!tpu.dma_semaphore, #tpu.memory_space<semaphore_mem>>) src(%dma_wait3A_27 : memref<3x128xi32, #tpu.memory_space<hbm>>) dst(%arg6 : memref<3x128xi32, #tpu.memory_space<vmem>>)
      tpu.yield
    }) : () -> ()
    %mul3A_3 = arith.constant 384 : i32
    %mul3A_4 = arith.muli %add3A, %mul3A_3 : i32
    "tpu.region"() ({
      %run_scoped3A_13 = tpu.sem_alloc : memref<!tpu.dma_semaphore, #tpu.memory_space<semaphore_mem>>
      %dma_start3A = arith.constant 0 : i32
      %dma_start3A_14 = tpu.memref_slice %arg2[%mul3A_4, %dma_start3A] : memref<12288x128xf32, #tpu.memory_space<hbm>> -> memref<384x128xf32, #tpu.memory_space<hbm>>
      %dma_start3A_15 = arith.constant 0 : i32
      %dma_start3A_16 = tpu.memref_slice %arg2[%mul3A_4, %dma_start3A_15] : memref<12288x128xf32, #tpu.memory_space<hbm>> -> memref<384x128xf32, #tpu.memory_space<hbm>>
      tpu.enqueue_dma source(%dma_start3A_16 : memref<384x128xf32, #tpu.memory_space<hbm>>) target(%arg7 : memref<384x128xf32, #tpu.memory_space<vmem>>) target_semaphore(%run_scoped3A_13 : memref<!tpu.dma_semaphore, #tpu.memory_space<semaphore_mem>>)
      %dma_wait3A = arith.constant 0 : i32
      %dma_wait3A_17 = tpu.memref_slice %arg2[%mul3A_4, %dma_wait3A] : memref<12288x128xf32, #tpu.memory_space<hbm>> -> memref<384x128xf32, #tpu.memory_space<hbm>>
      %dma_wait3A_18 = arith.constant 0 : i32
      %dma_wait3A_19 = tpu.memref_slice %arg2[%mul3A_4, %dma_wait3A_18] : memref<12288x128xf32, #tpu.memory_space<hbm>> -> memref<384x128xf32, #tpu.memory_space<hbm>>
      tpu.wait_dma2 semaphore(%run_scoped3A_13 : memref<!tpu.dma_semaphore, #tpu.memory_space<semaphore_mem>>) src(%dma_wait3A_19 : memref<384x128xf32, #tpu.memory_space<hbm>>) dst(%arg7 : memref<384x128xf32, #tpu.memory_space<vmem>>)
      tpu.yield
    }) : () -> ()
    %barrier3A = arith.constant 0 : index
    tpu.barrier barrier_id(%barrier3A)
    %run_scoped3A = arith.constant 0 : i32
    "tpu.region"() ({
      %run_scoped3A_13 = tpu.sem_alloc : memref<!tpu.dma_semaphore, #tpu.memory_space<semaphore_mem>>
      %dma_start3A = arith.constant 0 : i32
      %dma_start3A_14 = arith.constant 0 : i32
      %dma_start3A_15 = tpu.memref_slice %arg7[%dma_start3A, %dma_start3A_14] : memref<384x128xf32, #tpu.memory_space<vmem>> -> memref<128x128xf32, #tpu.memory_space<vmem>>
      %dma_start3A_16 = arith.constant 0 : i32
      %dma_start3A_17 = tpu.memref_slice %arg6[%run_scoped3A, %dma_start3A_16] : memref<3x128xi32, #tpu.memory_space<vmem>> -> memref<1x128xi32, #tpu.memory_space<vmem>>
      %dma_start3A_18 = tpu.memref_squeeze %dma_start3A_17 : memref<1x128xi32, #tpu.memory_space<vmem>> -> memref<128xi32, #tpu.memory_space<vmem>>
      %dma_start3A_19 = arith.constant 0 : i32
      %dma_start3A_20 = arith.constant 0 : i32
      %dma_start3A_21 = tpu.memref_slice %arg8[%dma_start3A_19, %dma_start3A_20] : memref<544x128xf32, #tpu.memory_space<vmem_shared>> -> memref<544x128xf32, #tpu.memory_space<vmem_shared>>
      tpu.enqueue_indirect_dma source(%dma_start3A_15 : memref<128x128xf32, #tpu.memory_space<vmem>>) target(%dma_start3A_21 : memref<544x128xf32, #tpu.memory_space<vmem_shared>>) offsets(%dma_start3A_18 : memref<128xi32, #tpu.memory_space<vmem>>) semaphore(%run_scoped3A_13 : memref<!tpu.dma_semaphore, #tpu.memory_space<semaphore_mem>>) {add = true}
      %dma_wait3A = arith.constant 0 : i32
      %dma_wait3A_22 = arith.constant 0 : i32
      %dma_wait3A_23 = tpu.memref_slice %arg7[%dma_wait3A, %dma_wait3A_22] : memref<384x128xf32, #tpu.memory_space<vmem>> -> memref<128x128xf32, #tpu.memory_space<vmem>>
      %dma_wait3A_24 = arith.constant 0 : i32
      %dma_wait3A_25 = tpu.memref_slice %arg6[%run_scoped3A, %dma_wait3A_24] : memref<3x128xi32, #tpu.memory_space<vmem>> -> memref<1x128xi32, #tpu.memory_space<vmem>>
      %dma_wait3A_26 = tpu.memref_squeeze %dma_wait3A_25 : memref<1x128xi32, #tpu.memory_space<vmem>> -> memref<128xi32, #tpu.memory_space<vmem>>
      %dma_wait3A_27 = arith.constant 0 : i32
      %dma_wait3A_28 = arith.constant 0 : i32
      %dma_wait3A_29 = tpu.memref_slice %arg8[%dma_wait3A_27, %dma_wait3A_28] : memref<544x128xf32, #tpu.memory_space<vmem_shared>> -> memref<544x128xf32, #tpu.memory_space<vmem_shared>>
      tpu.wait_indirect_dma semaphore(%run_scoped3A_13 : memref<!tpu.dma_semaphore, #tpu.memory_space<semaphore_mem>>) src(%dma_wait3A_23 : memref<128x128xf32, #tpu.memory_space<vmem>>) dst(%dma_wait3A_29 : memref<544x128xf32, #tpu.memory_space<vmem_shared>>)
      tpu.yield
    }) : () -> ()
    %run_scoped3A_5 = arith.constant 1 : i32
    "tpu.region"() ({
      %run_scoped3A_13 = tpu.sem_alloc : memref<!tpu.dma_semaphore, #tpu.memory_space<semaphore_mem>>
      %dma_start3A = arith.constant 128 : i32
      %dma_start3A_14 = arith.constant 0 : i32
      %dma_start3A_15 = tpu.memref_slice %arg7[%dma_start3A, %dma_start3A_14] : memref<384x128xf32, #tpu.memory_space<vmem>> -> memref<128x128xf32, #tpu.memory_space<vmem>>
      %dma_start3A_16 = arith.constant 0 : i32
      %dma_start3A_17 = tpu.memref_slice %arg6[%run_scoped3A_5, %dma_start3A_16] : memref<3x128xi32, #tpu.memory_space<vmem>> -> memref<1x128xi32, #tpu.memory_space<vmem>>
      %dma_start3A_18 = tpu.memref_squeeze %dma_start3A_17 : memref<1x128xi32, #tpu.memory_space<vmem>> -> memref<128xi32, #tpu.memory_space<vmem>>
      %dma_start3A_19 = arith.constant 0 : i32
      %dma_start3A_20 = arith.constant 0 : i32
      %dma_start3A_21 = tpu.memref_slice %arg8[%dma_start3A_19, %dma_start3A_20] : memref<544x128xf32, #tpu.memory_space<vmem_shared>> -> memref<544x128xf32, #tpu.memory_space<vmem_shared>>
      tpu.enqueue_indirect_dma source(%dma_start3A_15 : memref<128x128xf32, #tpu.memory_space<vmem>>) target(%dma_start3A_21 : memref<544x128xf32, #tpu.memory_space<vmem_shared>>) offsets(%dma_start3A_18 : memref<128xi32, #tpu.memory_space<vmem>>) semaphore(%run_scoped3A_13 : memref<!tpu.dma_semaphore, #tpu.memory_space<semaphore_mem>>) {add = true}
      %dma_wait3A = arith.constant 128 : i32
      %dma_wait3A_22 = arith.constant 0 : i32
      %dma_wait3A_23 = tpu.memref_slice %arg7[%dma_wait3A, %dma_wait3A_22] : memref<384x128xf32, #tpu.memory_space<vmem>> -> memref<128x128xf32, #tpu.memory_space<vmem>>
      %dma_wait3A_24 = arith.constant 0 : i32
      %dma_wait3A_25 = tpu.memref_slice %arg6[%run_scoped3A_5, %dma_wait3A_24] : memref<3x128xi32, #tpu.memory_space<vmem>> -> memref<1x128xi32, #tpu.memory_space<vmem>>
      %dma_wait3A_26 = tpu.memref_squeeze %dma_wait3A_25 : memref<1x128xi32, #tpu.memory_space<vmem>> -> memref<128xi32, #tpu.memory_space<vmem>>
      %dma_wait3A_27 = arith.constant 0 : i32
      %dma_wait3A_28 = arith.constant 0 : i32
      %dma_wait3A_29 = tpu.memref_slice %arg8[%dma_wait3A_27, %dma_wait3A_28] : memref<544x128xf32, #tpu.memory_space<vmem_shared>> -> memref<544x128xf32, #tpu.memory_space<vmem_shared>>
      tpu.wait_indirect_dma semaphore(%run_scoped3A_13 : memref<!tpu.dma_semaphore, #tpu.memory_space<semaphore_mem>>) src(%dma_wait3A_23 : memref<128x128xf32, #tpu.memory_space<vmem>>) dst(%dma_wait3A_29 : memref<544x128xf32, #tpu.memory_space<vmem_shared>>)
      tpu.yield
    }) : () -> ()
    %run_scoped3A_6 = arith.constant 2 : i32
    "tpu.region"() ({
      %run_scoped3A_13 = tpu.sem_alloc : memref<!tpu.dma_semaphore, #tpu.memory_space<semaphore_mem>>
      %dma_start3A = arith.constant 256 : i32
      %dma_start3A_14 = arith.constant 0 : i32
      %dma_start3A_15 = tpu.memref_slice %arg7[%dma_start3A, %dma_start3A_14] : memref<384x128xf32, #tpu.memory_space<vmem>> -> memref<128x128xf32, #tpu.memory_space<vmem>>
      %dma_start3A_16 = arith.constant 0 : i32
      %dma_start3A_17 = tpu.memref_slice %arg6[%run_scoped3A_6, %dma_start3A_16] : memref<3x128xi32, #tpu.memory_space<vmem>> -> memref<1x128xi32, #tpu.memory_space<vmem>>
      %dma_start3A_18 = tpu.memref_squeeze %dma_start3A_17 : memref<1x128xi32, #tpu.memory_space<vmem>> -> memref<128xi32, #tpu.memory_space<vmem>>
      %dma_start3A_19 = arith.constant 0 : i32
      %dma_start3A_20 = arith.constant 0 : i32
      %dma_start3A_21 = tpu.memref_slice %arg8[%dma_start3A_19, %dma_start3A_20] : memref<544x128xf32, #tpu.memory_space<vmem_shared>> -> memref<544x128xf32, #tpu.memory_space<vmem_shared>>
      tpu.enqueue_indirect_dma source(%dma_start3A_15 : memref<128x128xf32, #tpu.memory_space<vmem>>) target(%dma_start3A_21 : memref<544x128xf32, #tpu.memory_space<vmem_shared>>) offsets(%dma_start3A_18 : memref<128xi32, #tpu.memory_space<vmem>>) semaphore(%run_scoped3A_13 : memref<!tpu.dma_semaphore, #tpu.memory_space<semaphore_mem>>) {add = true}
      %dma_wait3A = arith.constant 256 : i32
      %dma_wait3A_22 = arith.constant 0 : i32
      %dma_wait3A_23 = tpu.memref_slice %arg7[%dma_wait3A, %dma_wait3A_22] : memref<384x128xf32, #tpu.memory_space<vmem>> -> memref<128x128xf32, #tpu.memory_space<vmem>>
      %dma_wait3A_24 = arith.constant 0 : i32
      %dma_wait3A_25 = tpu.memref_slice %arg6[%run_scoped3A_6, %dma_wait3A_24] : memref<3x128xi32, #tpu.memory_space<vmem>> -> memref<1x128xi32, #tpu.memory_space<vmem>>
      %dma_wait3A_26 = tpu.memref_squeeze %dma_wait3A_25 : memref<1x128xi32, #tpu.memory_space<vmem>> -> memref<128xi32, #tpu.memory_space<vmem>>
      %dma_wait3A_27 = arith.constant 0 : i32
      %dma_wait3A_28 = arith.constant 0 : i32
      %dma_wait3A_29 = tpu.memref_slice %arg8[%dma_wait3A_27, %dma_wait3A_28] : memref<544x128xf32, #tpu.memory_space<vmem_shared>> -> memref<544x128xf32, #tpu.memory_space<vmem_shared>>
      tpu.wait_indirect_dma semaphore(%run_scoped3A_13 : memref<!tpu.dma_semaphore, #tpu.memory_space<semaphore_mem>>) src(%dma_wait3A_23 : memref<128x128xf32, #tpu.memory_space<vmem>>) dst(%dma_wait3A_29 : memref<544x128xf32, #tpu.memory_space<vmem_shared>>)
      tpu.yield
    }) : () -> ()
    %barrier3A_7 = arith.constant 0 : index
    tpu.barrier barrier_id(%barrier3A_7)
    %eq3A_8 = arith.constant 0 : i32
    %eq3A_9 = arith.cmpi eq, %arg1, %eq3A_8 : i32
    %convert_element_type3A_10 = arith.extui %eq3A_9 : i1 to i32
    %cond3A_11 = arith.constant 0 : i32
    %cond3A_12 = arith.cmpi ne, %convert_element_type3A_10, %cond3A_11 : i32
    scf.if %cond3A_12 {
      "tpu.region"() ({
        %run_scoped3A_13 = tpu.sem_alloc : memref<!tpu.dma_semaphore, #tpu.memory_space<semaphore_mem>>
        %dma_start3A = arith.constant 0 : i32
        %dma_start3A_14 = arith.constant 0 : i32
        %dma_start3A_15 = tpu.memref_slice %arg5[%arg0, %dma_start3A, %dma_start3A_14] : memref<2x544x128xf32, #tpu.memory_space<hbm>> -> memref<1x544x128xf32, #tpu.memory_space<hbm>>
        %dma_start3A_16 = tpu.memref_squeeze %dma_start3A_15 : memref<1x544x128xf32, #tpu.memory_space<hbm>> -> memref<544x128xf32, #tpu.memory_space<hbm>>
        tpu.enqueue_dma source(%arg8 : memref<544x128xf32, #tpu.memory_space<vmem_shared>>) target(%dma_start3A_16 : memref<544x128xf32, #tpu.memory_space<hbm>>) target_semaphore(%run_scoped3A_13 : memref<!tpu.dma_semaphore, #tpu.memory_space<semaphore_mem>>)
        %dma_wait3A = arith.constant 0 : i32
        %dma_wait3A_17 = arith.constant 0 : i32
        %dma_wait3A_18 = tpu.memref_slice %arg5[%arg0, %dma_wait3A, %dma_wait3A_17] : memref<2x544x128xf32, #tpu.memory_space<hbm>> -> memref<1x544x128xf32, #tpu.memory_space<hbm>>
        %dma_wait3A_19 = tpu.memref_squeeze %dma_wait3A_18 : memref<1x544x128xf32, #tpu.memory_space<hbm>> -> memref<544x128xf32, #tpu.memory_space<hbm>>
        tpu.wait_dma2 semaphore(%run_scoped3A_13 : memref<!tpu.dma_semaphore, #tpu.memory_space<semaphore_mem>>) src(%arg8 : memref<544x128xf32, #tpu.memory_space<vmem_shared>>) dst(%dma_wait3A_19 : memref<544x128xf32, #tpu.memory_space<hbm>>)
        tpu.yield
      }) : () -> ()
    } else {
    }
    return
  }
}

module attributes {stable_mosaic.version = 14 : i64} {
  func.func @_tc1_body(%arg0: i32, %arg1: memref<2x256xf32, #tpu.memory_space<vmem>>, %arg2: memref<256x128xf32, #tpu.memory_space<vmem>>, %arg3: memref<128x128xf32, #tpu.memory_space<vmem>>, %arg4: memref<256xf32, #tpu.memory_space<vmem>>, %arg5: memref<256x128xf32, #tpu.memory_space<vmem>>) attributes {dimension_semantics = [#tpu.dimension_semantics<arbitrary>], iteration_bounds = array<i64: 40>, scalar_prefetch = 0 : i64, scratch_operands = 0 : i64, tpu.core_type = #tpu.core_type<tc>, window_params = [{transform_indices = @transform_0, window_bounds = array<i64: 2, 256>}, {transform_indices = @transform_1, window_bounds = array<i64: 256, 128>}, {pipeline_mode = #tpu.pipeline_mode<synchronous>, transform_indices = @transform_2, window_bounds = array<i64: 128, 128>}, {transform_indices = @transform_3, window_bounds = array<i64: 256>}, {transform_indices = @transform_4, window_bounds = array<i64: 256, 128>}]} {
    %get3A = arith.constant 0 : index
    %get3A_0 = arith.constant 0 : index
    %get3A_1 = vector.load %arg1[%get3A, %get3A_0] : memref<2x256xf32, #tpu.memory_space<vmem>>, vector<1x256xf32>
    %get3A_2 = vector.shape_cast %get3A_1 : vector<1x256xf32> to vector<256xf32>
    %get3A_3 = arith.constant 1 : index
    %get3A_4 = arith.constant 0 : index
    %get3A_5 = vector.load %arg1[%get3A_3, %get3A_4] : memref<2x256xf32, #tpu.memory_space<vmem>>, vector<1x256xf32>
    %get3A_6 = vector.shape_cast %get3A_5 : vector<1x256xf32> to vector<256xf32>
    %add3A = arith.addf %get3A_2, %get3A_6 : vector<256xf32>
    %add3A_7 = arith.constant 1.000000e+00 : f32
    %add3A_8 = vector.broadcast %add3A_7 : f32 to vector<256xf32>
    %add3A_9 = arith.addf %add3A, %add3A_8 : vector<256xf32>
    %gt3A = arith.constant 0.000000e+00 : f32
    %gt3A_10 = vector.broadcast %gt3A : f32 to vector<256xf32>
    %gt3A_11 = arith.cmpf ogt, %add3A_9, %gt3A_10 : vector<256xf32>
    %max3A = arith.constant 9.99999996E-13 : f32
    %max3A_12 = vector.broadcast %max3A : f32 to vector<256xf32>
    %max3A_13 = arith.maximumf %add3A_9, %max3A_12 : vector<256xf32>
    %rsqrt3A = math.rsqrt %max3A_13 : vector<256xf32>
    %jit3A = arith.constant 0.000000e+00 : f32
    %broadcast_in_dim3A = vector.broadcast %jit3A : f32 to vector<256xf32>
    %select_n3A = arith.select %gt3A_11, %rsqrt3A, %broadcast_in_dim3A : vector<256xi1>, vector<256xf32>
    %swap3A = arith.constant 0 : index
    %swap3A_14 = vector.load %arg4[%swap3A] : memref<256xf32, #tpu.memory_space<vmem>>, vector<256xf32>
    tpu.vector_store %arg4[%swap3A], %select_n3A {strides = array<i32>} : memref<256xf32, #tpu.memory_space<vmem>>, vector<256xf32>,
    %broadcast_in_dim3A_15 = vector.shape_cast %select_n3A : vector<256xf32> to vector<256x1xf32>
    %get3A_16 = arith.constant 0 : index
    %get3A_17 = arith.constant 0 : index
    %get3A_18 = vector.load %arg2[%get3A_16, %get3A_17] : memref<256x128xf32, #tpu.memory_space<vmem>>, vector<256x128xf32>
    %get3A_19 = arith.constant 0 : index
    %get3A_20 = arith.constant 0 : index
    %get3A_21 = vector.load %arg3[%get3A_19, %get3A_20] : memref<128x128xf32, #tpu.memory_space<vmem>>, vector<128x128xf32>
    %dot_general3A = arith.constant dense<0.000000e+00> : vector<256x128xf32>
    %dot_general3A_22 = tpu.matmul %get3A_18, %get3A_21, %dot_general3A {dimension_numbers = #tpu.dot_dimension_numbers<[1], [0], [0], [1], [0, 0, 1, 1], [], []>, transpose_lhs_hint = false} : vector<256x128xf32>, vector<128x128xf32>, vector<256x128xf32> -> vector<256x128xf32>
    %mul3A = vector.broadcast %broadcast_in_dim3A_15 : vector<256x1xf32> to vector<256x128xf32>
    %mul3A_23 = arith.mulf %mul3A, %dot_general3A_22 : vector<256x128xf32>
    %swap3A_24 = arith.constant 0 : index
    %swap3A_25 = arith.constant 0 : index
    %swap3A_26 = vector.load %arg5[%swap3A_24, %swap3A_25] : memref<256x128xf32, #tpu.memory_space<vmem>>, vector<256x128xf32>
    tpu.vector_store %arg5[%swap3A_24, %swap3A_25], %mul3A_23 {strides = array<i32>} : memref<256x128xf32, #tpu.memory_space<vmem>>, vector<256x128xf32>,
    return
  }
  func.func @transform_0(%arg0: i32) -> (i32, i32) {
    %c0_i32 = arith.constant 0 : i32
    %c0_i32_0 = arith.constant 0 : i32
    return %c0_i32, %arg0 : i32, i32
  }
  func.func @transform_1(%arg0: i32) -> (i32, i32) {
    %c0_i32 = arith.constant 0 : i32
    %c0_i32_0 = arith.constant 0 : i32
    return %arg0, %c0_i32 : i32, i32
  }
  func.func @transform_2(%arg0: i32) -> (i32, i32) {
    %c0_i32 = arith.constant 0 : i32
    %c0_i32_0 = arith.constant 0 : i32
    %c0_i32_1 = arith.constant 0 : i32
    return %c0_i32, %c0_i32_0 : i32, i32
  }
  func.func @transform_3(%arg0: i32) -> i32 {
    %c0_i32 = arith.constant 0 : i32
    return %arg0 : i32
  }
  func.func @transform_4(%arg0: i32) -> (i32, i32) {
    %c0_i32 = arith.constant 0 : i32
    %c0_i32_0 = arith.constant 0 : i32
    return %arg0, %c0_i32 : i32, i32
  }
}

module attributes {stable_mosaic.version = 14 : i64} {
  func.func @_layer_body(%arg0: i32, %arg1: memref<2x256x128xf32, #tpu.memory_space<vmem>>, %arg2: memref<256x128xf32, #tpu.memory_space<vmem>>, %arg3: memref<256xf32, #tpu.memory_space<vmem>>, %arg4: memref<128xf32, #tpu.memory_space<vmem>>, %arg5: memref<128x128xf32, #tpu.memory_space<vmem>>, %arg6: memref<256x128xf32, #tpu.memory_space<vmem>>) attributes {dimension_semantics = [#tpu.dimension_semantics<arbitrary>], iteration_bounds = array<i64: 40>, scalar_prefetch = 0 : i64, scratch_operands = 0 : i64, tpu.core_type = #tpu.core_type<tc>, window_params = [{transform_indices = @transform_0, window_bounds = array<i64: 2, 256, 128>}, {transform_indices = @transform_1, window_bounds = array<i64: 256, 128>}, {transform_indices = @transform_2, window_bounds = array<i64: 256>}, {pipeline_mode = #tpu.pipeline_mode<synchronous>, transform_indices = @transform_3, window_bounds = array<i64: 128>}, {pipeline_mode = #tpu.pipeline_mode<synchronous>, transform_indices = @transform_4, window_bounds = array<i64: 128, 128>}, {transform_indices = @transform_5, window_bounds = array<i64: 256, 128>}]} {
    %get3A = arith.constant 0 : index
    %get3A_0 = vector.load %arg3[%get3A] : memref<256xf32, #tpu.memory_space<vmem>>, vector<256xf32>
    %broadcast_in_dim3A = vector.shape_cast %get3A_0 : vector<256xf32> to vector<256x1xf32>
    %get3A_1 = arith.constant 0 : index
    %get3A_2 = arith.constant 0 : index
    %get3A_3 = arith.constant 0 : index
    %get3A_4 = vector.load %arg1[%get3A_1, %get3A_2, %get3A_3] : memref<2x256x128xf32, #tpu.memory_space<vmem>>, vector<1x256x128xf32>
    %get3A_5 = vector.shape_cast %get3A_4 : vector<1x256x128xf32> to vector<256x128xf32>
    %get3A_6 = arith.constant 1 : index
    %get3A_7 = arith.constant 0 : index
    %get3A_8 = arith.constant 0 : index
    %get3A_9 = vector.load %arg1[%get3A_6, %get3A_7, %get3A_8] : memref<2x256x128xf32, #tpu.memory_space<vmem>>, vector<1x256x128xf32>
    %get3A_10 = vector.shape_cast %get3A_9 : vector<1x256x128xf32> to vector<256x128xf32>
    %add3A = arith.addf %get3A_5, %get3A_10 : vector<256x128xf32>
    %get3A_11 = arith.constant 0 : index
    %get3A_12 = arith.constant 0 : index
    %get3A_13 = vector.load %arg2[%get3A_11, %get3A_12] : memref<256x128xf32, #tpu.memory_space<vmem>>, vector<256x128xf32>
    %add3A_14 = arith.addf %add3A, %get3A_13 : vector<256x128xf32>
    %mul3A = vector.broadcast %broadcast_in_dim3A : vector<256x1xf32> to vector<256x128xf32>
    %mul3A_15 = arith.mulf %mul3A, %add3A_14 : vector<256x128xf32>
    %get3A_16 = arith.constant 0 : index
    %get3A_17 = vector.load %arg4[%get3A_16] : memref<128xf32, #tpu.memory_space<vmem>>, vector<128xf32>
    %broadcast_in_dim3A_18 = vector.shape_cast %get3A_17 : vector<128xf32> to vector<1x128xf32>
    %add3A_19 = vector.broadcast %broadcast_in_dim3A_18 : vector<1x128xf32> to vector<256x128xf32>
    %add3A_20 = arith.addf %mul3A_15, %add3A_19 : vector<256x128xf32>
    %max3A = arith.constant 0.000000e+00 : f32
    %max3A_21 = vector.broadcast %max3A : f32 to vector<256x128xf32>
    %max3A_22 = arith.maximumf %add3A_20, %max3A_21 : vector<256x128xf32>
    %broadcast_in_dim3A_23 = vector.shape_cast %get3A_0 : vector<256xf32> to vector<256x1xf32>
    %get3A_24 = arith.constant 0 : index
    %get3A_25 = arith.constant 0 : index
    %get3A_26 = vector.load %arg5[%get3A_24, %get3A_25] : memref<128x128xf32, #tpu.memory_space<vmem>>, vector<128x128xf32>
    %dot_general3A = arith.constant dense<0.000000e+00> : vector<256x128xf32>
    %dot_general3A_27 = tpu.matmul %max3A_22, %get3A_26, %dot_general3A {dimension_numbers = #tpu.dot_dimension_numbers<[1], [0], [0], [1], [0, 0, 1, 1], [], []>, transpose_lhs_hint = false} : vector<256x128xf32>, vector<128x128xf32>, vector<256x128xf32> -> vector<256x128xf32>
    %mul3A_28 = vector.broadcast %broadcast_in_dim3A_23 : vector<256x1xf32> to vector<256x128xf32>
    %mul3A_29 = arith.mulf %mul3A_28, %dot_general3A_27 : vector<256x128xf32>
    %swap3A = arith.constant 0 : index
    %swap3A_30 = arith.constant 0 : index
    %swap3A_31 = vector.load %arg6[%swap3A, %swap3A_30] : memref<256x128xf32, #tpu.memory_space<vmem>>, vector<256x128xf32>
    tpu.vector_store %arg6[%swap3A, %swap3A_30], %mul3A_29 {strides = array<i32>} : memref<256x128xf32, #tpu.memory_space<vmem>>, vector<256x128xf32>,
    return
  }
  func.func @transform_0(%arg0: i32) -> (i32, i32, i32) {
    %c0_i32 = arith.constant 0 : i32
    %c0_i32_0 = arith.constant 0 : i32
    %c0_i32_1 = arith.constant 0 : i32
    return %c0_i32, %arg0, %c0_i32_0 : i32, i32, i32
  }
  func.func @transform_1(%arg0: i32) -> (i32, i32) {
    %c0_i32 = arith.constant 0 : i32
    %c0_i32_0 = arith.constant 0 : i32
    return %arg0, %c0_i32 : i32, i32
  }
  func.func @transform_2(%arg0: i32) -> i32 {
    %c0_i32 = arith.constant 0 : i32
    return %arg0 : i32
  }
  func.func @transform_3(%arg0: i32) -> i32 {
    %c0_i32 = arith.constant 0 : i32
    %c0_i32_0 = arith.constant 0 : i32
    return %c0_i32 : i32
  }
  func.func @transform_4(%arg0: i32) -> (i32, i32) {
    %c0_i32 = arith.constant 0 : i32
    %c0_i32_0 = arith.constant 0 : i32
    %c0_i32_1 = arith.constant 0 : i32
    return %c0_i32, %c0_i32_0 : i32, i32
  }
  func.func @transform_5(%arg0: i32) -> (i32, i32) {
    %c0_i32 = arith.constant 0 : i32
    %c0_i32_0 = arith.constant 0 : i32
    return %arg0, %c0_i32 : i32, i32
  }
}

module attributes {stable_mosaic.version = 14 : i64} {
  func.func @_final_body(%arg0: i32, %arg1: memref<2x256x128xf32, #tpu.memory_space<vmem>>, %arg2: memref<256x128xf32, #tpu.memory_space<vmem>>, %arg3: memref<256xf32, #tpu.memory_space<vmem>>, %arg4: memref<128xf32, #tpu.memory_space<vmem>>, %arg5: memref<256x128xf32, #tpu.memory_space<vmem>>) attributes {dimension_semantics = [#tpu.dimension_semantics<arbitrary>], iteration_bounds = array<i64: 40>, scalar_prefetch = 0 : i64, scratch_operands = 0 : i64, tpu.core_type = #tpu.core_type<tc>, window_params = [{transform_indices = @transform_0, window_bounds = array<i64: 2, 256, 128>}, {transform_indices = @transform_1, window_bounds = array<i64: 256, 128>}, {transform_indices = @transform_2, window_bounds = array<i64: 256>}, {pipeline_mode = #tpu.pipeline_mode<synchronous>, transform_indices = @transform_3, window_bounds = array<i64: 128>}, {transform_indices = @transform_4, window_bounds = array<i64: 256, 128>}]} {
    %get3A = arith.constant 0 : index
    %get3A_0 = vector.load %arg3[%get3A] : memref<256xf32, #tpu.memory_space<vmem>>, vector<256xf32>
    %broadcast_in_dim3A = vector.shape_cast %get3A_0 : vector<256xf32> to vector<256x1xf32>
    %get3A_1 = arith.constant 0 : index
    %get3A_2 = arith.constant 0 : index
    %get3A_3 = arith.constant 0 : index
    %get3A_4 = vector.load %arg1[%get3A_1, %get3A_2, %get3A_3] : memref<2x256x128xf32, #tpu.memory_space<vmem>>, vector<1x256x128xf32>
    %get3A_5 = vector.shape_cast %get3A_4 : vector<1x256x128xf32> to vector<256x128xf32>
    %get3A_6 = arith.constant 1 : index
    %get3A_7 = arith.constant 0 : index
    %get3A_8 = arith.constant 0 : index
    %get3A_9 = vector.load %arg1[%get3A_6, %get3A_7, %get3A_8] : memref<2x256x128xf32, #tpu.memory_space<vmem>>, vector<1x256x128xf32>
    %get3A_10 = vector.shape_cast %get3A_9 : vector<1x256x128xf32> to vector<256x128xf32>
    %add3A = arith.addf %get3A_5, %get3A_10 : vector<256x128xf32>
    %get3A_11 = arith.constant 0 : index
    %get3A_12 = arith.constant 0 : index
    %get3A_13 = vector.load %arg2[%get3A_11, %get3A_12] : memref<256x128xf32, #tpu.memory_space<vmem>>, vector<256x128xf32>
    %add3A_14 = arith.addf %add3A, %get3A_13 : vector<256x128xf32>
    %mul3A = vector.broadcast %broadcast_in_dim3A : vector<256x1xf32> to vector<256x128xf32>
    %mul3A_15 = arith.mulf %mul3A, %add3A_14 : vector<256x128xf32>
    %get3A_16 = arith.constant 0 : index
    %get3A_17 = vector.load %arg4[%get3A_16] : memref<128xf32, #tpu.memory_space<vmem>>, vector<128xf32>
    %broadcast_in_dim3A_18 = vector.shape_cast %get3A_17 : vector<128xf32> to vector<1x128xf32>
    %add3A_19 = vector.broadcast %broadcast_in_dim3A_18 : vector<1x128xf32> to vector<256x128xf32>
    %add3A_20 = arith.addf %mul3A_15, %add3A_19 : vector<256x128xf32>
    %max3A = arith.constant 0.000000e+00 : f32
    %max3A_21 = vector.broadcast %max3A : f32 to vector<256x128xf32>
    %max3A_22 = arith.maximumf %add3A_20, %max3A_21 : vector<256x128xf32>
    %swap3A = arith.constant 0 : index
    %swap3A_23 = arith.constant 0 : index
    %swap3A_24 = vector.load %arg5[%swap3A, %swap3A_23] : memref<256x128xf32, #tpu.memory_space<vmem>>, vector<256x128xf32>
    tpu.vector_store %arg5[%swap3A, %swap3A_23], %max3A_22 {strides = array<i32>} : memref<256x128xf32, #tpu.memory_space<vmem>>, vector<256x128xf32>,
    return
  }
  func.func @transform_0(%arg0: i32) -> (i32, i32, i32) {
    %c0_i32 = arith.constant 0 : i32
    %c0_i32_0 = arith.constant 0 : i32
    %c0_i32_1 = arith.constant 0 : i32
    return %c0_i32, %arg0, %c0_i32_0 : i32, i32, i32
  }
  func.func @transform_1(%arg0: i32) -> (i32, i32) {
    %c0_i32 = arith.constant 0 : i32
    %c0_i32_0 = arith.constant 0 : i32
    return %arg0, %c0_i32 : i32, i32
  }
  func.func @transform_2(%arg0: i32) -> i32 {
    %c0_i32 = arith.constant 0 : i32
    return %arg0 : i32
  }
  func.func @transform_3(%arg0: i32) -> i32 {
    %c0_i32 = arith.constant 0 : i32
    %c0_i32_0 = arith.constant 0 : i32
    return %c0_i32 : i32
  }
  func.func @transform_4(%arg0: i32) -> (i32, i32) {
    %c0_i32 = arith.constant 0 : i32
    %c0_i32_0 = arith.constant 0 : i32
    return %arg0, %c0_i32 : i32, i32
  }
}

module attributes {stable_mosaic.version = 14 : i64} {
  func.func @_head_body(%arg0: memref<2x544x128xf32, #tpu.memory_space<vmem>>, %arg1: memref<2x544xf32, #tpu.memory_space<vmem>>, %arg2: memref<64x32xf32, #tpu.memory_space<vmem>>, %arg3: memref<32xf32, #tpu.memory_space<vmem>>, %arg4: memref<32x16xf32, #tpu.memory_space<vmem>>, %arg5: memref<16xf32, #tpu.memory_space<vmem>>, %arg6: memref<544x16xf32, #tpu.memory_space<vmem>>) attributes {dimension_semantics = [], scalar_prefetch = 0 : i64, scratch_operands = 0 : i64, tpu.core_type = #tpu.core_type<tc>} {
    %get3A = arith.constant 0 : index
    %get3A_0 = arith.constant 0 : index
    %get3A_1 = arith.constant 0 : index
    %get3A_2 = vector.load %arg0[%get3A, %get3A_0, %get3A_1] : memref<2x544x128xf32, #tpu.memory_space<vmem>>, vector<1x544x64xf32>
    %get3A_3 = vector.shape_cast %get3A_2 : vector<1x544x64xf32> to vector<544x64xf32>
    %get3A_4 = arith.constant 1 : index
    %get3A_5 = arith.constant 0 : index
    %get3A_6 = arith.constant 0 : index
    %get3A_7 = vector.load %arg0[%get3A_4, %get3A_5, %get3A_6] : memref<2x544x128xf32, #tpu.memory_space<vmem>>, vector<1x544x64xf32>
    %get3A_8 = vector.shape_cast %get3A_7 : vector<1x544x64xf32> to vector<544x64xf32>
    %add3A = arith.addf %get3A_3, %get3A_8 : vector<544x64xf32>
    %get3A_9 = arith.constant 0 : index
    %get3A_10 = arith.constant 0 : index
    %get3A_11 = vector.load %arg1[%get3A_9, %get3A_10] : memref<2x544xf32, #tpu.memory_space<vmem>>, vector<1x544xf32>
    %get3A_12 = vector.shape_cast %get3A_11 : vector<1x544xf32> to vector<544xf32>
    %get3A_13 = arith.constant 1 : index
    %get3A_14 = arith.constant 0 : index
    %get3A_15 = vector.load %arg1[%get3A_13, %get3A_14] : memref<2x544xf32, #tpu.memory_space<vmem>>, vector<1x544xf32>
    %get3A_16 = vector.shape_cast %get3A_15 : vector<1x544xf32> to vector<544xf32>
    %add3A_17 = arith.addf %get3A_12, %get3A_16 : vector<544xf32>
    %max3A = arith.constant 1.000000e+00 : f32
    %max3A_18 = vector.broadcast %max3A : f32 to vector<544xf32>
    %max3A_19 = arith.maximumf %add3A_17, %max3A_18 : vector<544xf32>
    %broadcast_in_dim3A = vector.shape_cast %max3A_19 : vector<544xf32> to vector<544x1xf32>
    %div3A = vector.broadcast %broadcast_in_dim3A : vector<544x1xf32> to vector<544x64xf32>
    %div3A_20 = arith.divf %add3A, %div3A : vector<544x64xf32>
    %get3A_21 = arith.constant 0 : index
    %get3A_22 = arith.constant 0 : index
    %get3A_23 = vector.load %arg2[%get3A_21, %get3A_22] : memref<64x32xf32, #tpu.memory_space<vmem>>, vector<64x32xf32>
    %dot_general3A = arith.constant dense<0.000000e+00> : vector<544x32xf32>
    %dot_general3A_24 = tpu.matmul %div3A_20, %get3A_23, %dot_general3A {dimension_numbers = #tpu.dot_dimension_numbers<[1], [0], [0], [1], [0, 0, 1, 1], [], []>, transpose_lhs_hint = false} : vector<544x64xf32>, vector<64x32xf32>, vector<544x32xf32> -> vector<544x32xf32>
    %get3A_25 = arith.constant 0 : index
    %get3A_26 = vector.load %arg3[%get3A_25] : memref<32xf32, #tpu.memory_space<vmem>>, vector<32xf32>
    %broadcast_in_dim3A_27 = vector.shape_cast %get3A_26 : vector<32xf32> to vector<1x32xf32>
    %add3A_28 = vector.broadcast %broadcast_in_dim3A_27 : vector<1x32xf32> to vector<544x32xf32>
    %add3A_29 = arith.addf %dot_general3A_24, %add3A_28 : vector<544x32xf32>
    %max3A_30 = arith.constant 0.000000e+00 : f32
    %max3A_31 = vector.broadcast %max3A_30 : f32 to vector<544x32xf32>
    %max3A_32 = arith.maximumf %add3A_29, %max3A_31 : vector<544x32xf32>
    %get3A_33 = arith.constant 0 : index
    %get3A_34 = arith.constant 0 : index
    %get3A_35 = vector.load %arg4[%get3A_33, %get3A_34] : memref<32x16xf32, #tpu.memory_space<vmem>>, vector<32x16xf32>
    %dot_general3A_36 = arith.constant dense<0.000000e+00> : vector<544x16xf32>
    %dot_general3A_37 = tpu.matmul %max3A_32, %get3A_35, %dot_general3A_36 {dimension_numbers = #tpu.dot_dimension_numbers<[1], [0], [0], [1], [0, 0, 1, 1], [], []>, transpose_lhs_hint = false} : vector<544x32xf32>, vector<32x16xf32>, vector<544x16xf32> -> vector<544x16xf32>
    %get3A_38 = arith.constant 0 : index
    %get3A_39 = vector.load %arg5[%get3A_38] : memref<16xf32, #tpu.memory_space<vmem>>, vector<16xf32>
    %broadcast_in_dim3A_40 = vector.shape_cast %get3A_39 : vector<16xf32> to vector<1x16xf32>
    %add3A_41 = vector.broadcast %broadcast_in_dim3A_40 : vector<1x16xf32> to vector<544x16xf32>
    %add3A_42 = arith.addf %dot_general3A_37, %add3A_41 : vector<544x16xf32>
    %swap3A = arith.constant 0 : index
    %swap3A_43 = arith.constant 0 : index
    %swap3A_44 = vector.load %arg6[%swap3A, %swap3A_43] : memref<544x16xf32, #tpu.memory_space<vmem>>, vector<544x16xf32>
    tpu.vector_store %arg6[%swap3A, %swap3A_43], %add3A_42 {strides = array<i32>} : memref<544x16xf32, #tpu.memory_space<vmem>>, vector<544x16xf32>,
    return
  }
}

</mosaic_0001>

<sc_bundles>
// kernel: kernel.12.cloned.1.call-start
scs
__scs_entry_jumppad:
0x0: {  	(pc) =	sbr.rel $0x88, $3  }
0x1: {  	(tag) =	ssettag $0x0;
	lr =	simm.s32 $0x1  }
0x2: {  	[smem:$0x3F94] =	sst lr;
	_ =	strace $0xD0000000  }
0x3: {  	_ = 	snop  }
0x4: {  	_ = 	snop  }
0x5: {  	_ = 	snop  }
0x6: {  	_ = 	snop  }
0x7: {  	_ = 	snop  }
__scs_overlays_trampoline_lowered:
0x8: {  	[smem:$0x3FA3] =	sst s0  }
0x9: {  	[smem:$0x3FA4] =	sst s1  }
0xa: {  	[smem:$0x3FA5] =	sst s2  }
0xb: {  	[smem:$0x3FA6] =	sst s3  }
0xc: {  	[smem:$0x3FA7] =	sst s4  }
0xd: {  	[smem:$0x3FA8] =	sst s5  }
0xe: {  	[smem:$0x3FA9] =	sst s6  }
0xf: {  	[smem:$0x3FAA] =	sst s7  }
0x10: {  	[smem:$0x3FAB] =	sst s8  }
0x11: {  	[smem:$0x3FAC] =	sst s9;
	s0 =	simm.s32 @!p0 $0x0  }
0x12: {  	s1 =	sld [smem:$0x3F92];
	s0 =	simm.s32 @p0 $0x1  }
0x13: {  	[smem:$0x3FAD] =	sst s0;
	s0 =	simm.s32 @!p1 $0x0  }
0x14: {  	s2 =	sld [smem:$0x3F91];
	s0 =	simm.s32 @p1 $0x1  }
0x15: {  	[smem:$0x3FAE] =	sst s0;
	s0 =	simm.s32 @!p2 $0x0  }
0x16: {  	s3 =	sld [smem:$0x3FDB];
	s0 =	simm.s32 @p2 $0x1  }
0x17: {  	s4 =	simm.s32 $0x1BF5;
	[smem:$0x3FB0] =	sst s0  }
0x18: {  	s0 =	sld [smem:$0x3F93];
	_ =	swait.ge [sflag:s4], $0x0  }
0x19: {  	s7 =	sld [smem:$0x3F94]  }
0x1a: {  	s8 =	sadd.s32 $0xFFFFE003, lr  }
0x1b: {  	s9 =	sadd.s32 $0xFFFFFEF7, lr;
	s5 =	simm.s32 $0xFFFFFFFF;
	p2 =	slt.u32 s8, $0xFFFFF086  }
0x1c: {  	p1 =	slt.u32 s9, $0xF7A;
	s5 =	simm.s32 @!p2 $0x0  }
0x1d: {  	s5 =	simm.s32 @p1 $0x1;
	p0 =	seq.s32 s7, s2  }
0x1e: {  	s7 =	smul.u32 @!p0 $0xF7A, s2;
	p2 =	seq.s32 @!p0 s5, $0x0  }
0x1f: {  	s9 =	smul.u32 $0xF7A, s1;
	s8 =	simm.s32 @!p0 $0x1BF5;
	p2 =	por !p2, p0  }
0x20: {  	[sflag:s8] =	ssyncset.s32 @!p0 $0xFFFFF086;
	s6 =	sadd.s32 @!p0 s3, s7;
	s7 =	simm.s32 @!p0 $0x108  }
0x21: {  	s3 =	sadd.s32 s3, s9;
	s6 =	sadd.s32 @!p0 $0x88, s6;
	s7 =	simm.s32 @p2 $0x1082  }
0x22: {  	[simem:s7], [sflag:s8] =	dma.local @!p0 [hbm:s6], $0xF7A  }
0x23: {  	s9 =	sor.u32 $0xD0000000, s2;
	s6 =	simm.s32 $0x108;
	_ =	swait.ge @!p0 [sflag:s8], $0x0  }
0x24: {  	s3 =	sadd.s32 $0x88, s3;
	s6 =	simm.s32 @!p1 $0x1082;
	[sflag:s4] =	ssyncset.s32 $0xFFFFF086  }
0x25: {  	[simem:s6], [sflag:s4] =	dma.local [hbm:s3], $0xF7A  }
0x26: {  	[smem:$0x3F94] =	sst s1;
	(tag) =	ssettag s2;
	_ =	strace s9  }
0x27: {  	s1 =	sld [smem:$0x3FA4]  }
0x28: {  	s2 =	sld [smem:$0x3FA5]  }
0x29: {  	s4 =	sld [smem:$0x3FA7]  }
0x2a: {  	p0 =	seq.s32 s5, $0x0;
	s5 =	sld [smem:$0x3FA8]  }
0x2b: {  	s6 =	sld [smem:$0x3FA9]  }
0x2c: {  	s7 =	sld [smem:$0x3FAA]  }
0x2d: {  	s3 =	simm.s32 $0x108;
	s8 =	sld [smem:$0x3FAB]  }
0x2e: {  	s3 =	simm.s32 @!p0 $0x1082;
	s9 =	sld [smem:$0x3FAC]  }
0x2f: {  	lr =	sadd.s32 s0, s3;
	s0 =	sld [smem:$0x3FA3]  }
0x30: {  	s3 =	sld [smem:$0x3FA6]  }
0x31: {  	[smem:$0x3FAF] =	sst s10  }
0x32: {  	s10 =	sld [smem:$0x3FAD];
	_ =	sdelay $0x3  }
0x33: {  	p0 =	seq.s32 s10, $0x1;
	s10 =	sld [smem:$0x3FAF];
	_ =	sdelay $0x3  }
0x34: {  	[smem:$0x3FAF] =	sst s10  }
0x35: {  	s10 =	sld [smem:$0x3FAE];
	_ =	sdelay $0x3  }
0x36: {  	p1 =	seq.s32 s10, $0x1;
	s10 =	sld [smem:$0x3FAF];
	_ =	sdelay $0x3  }
0x37: {  	[smem:$0x3FAF] =	sst s10  }
0x38: {  	s10 =	sld [smem:$0x3FB0]  }
0x39: {  	_ = 	snop;
	(pc) =	sbr.ind lr, $3  }
0x3a: {  	_ = 	snop  }
0x3b: {  	_ = 	snop  }
0x3c: {  	p2 =	seq.s32 s10, $0x1;
	s10 =	sld [smem:$0x3FAF]  }
0x3d: {  	_ =	shalt  }
0x3e: {  	_ =	shalt  }
0x3f: {  	_ =	shalt  }
0x40: {  	_ =	shalt  }
0x41: {  	_ =	shalt  }
0x42: {  	_ =	shalt  }
0x43: {  	_ =	shalt  }
0x44: {  	_ =	shalt  }
0x45: {  	_ =	shalt  }
0x46: {  	_ =	shalt  }
0x47: {  	_ =	shalt  }
0x48: {  	_ =	shalt  }
0x49: {  	_ =	shalt  }
0x4a: {  	_ =	shalt  }
0x4b: {  	_ =	shalt  }
0x4c: {  	_ =	shalt  }
0x4d: {  	_ =	shalt  }
0x4e: {  	_ =	shalt  }
0x4f: {  	_ =	shalt  }
0x50: {  	_ =	shalt  }
0x51: {  	_ =	shalt  }
0x52: {  	_ =	shalt  }
0x53: {  	_ =	shalt  }
0x54: {  	_ =	shalt  }
0x55: {  	_ =	shalt  }
0x56: {  	_ =	shalt  }
0x57: {  	_ =	shalt  }
0x58: {  	_ =	shalt  }
0x59: {  	_ =	shalt  }
0x5a: {  	_ =	shalt  }
0x5b: {  	_ =	shalt  }
0x5c: {  	_ =	shalt  }
0x5d: {  	_ =	shalt  }
0x5e: {  	_ =	shalt  }
0x5f: {  	_ =	shalt  }
0x60: {  	_ =	shalt  }
0x61: {  	_ =	shalt  }
0x62: {  	_ =	shalt  }
0x63: {  	_ =	shalt  }
0x64: {  	_ =	shalt  }
0x65: {  	_ =	shalt  }
0x66: {  	_ =	shalt  }
0x67: {  	_ =	shalt  }
0x68: {  	_ =	shalt  }
0x69: {  	_ =	shalt  }
0x6a: {  	_ =	shalt  }
0x6b: {  	_ =	shalt  }
0x6c: {  	_ =	shalt  }
0x6d: {  	_ =	shalt  }
0x6e: {  	_ =	shalt  }
0x6f: {  	_ =	shalt  }
0x70: {  	_ =	shalt  }
0x71: {  	_ =	shalt  }
0x72: {  	_ =	shalt  }
0x73: {  	_ =	shalt  }
0x74: {  	_ =	shalt  }
0x75: {  	_ =	shalt  }
0x76: {  	_ =	shalt  }
0x77: {  	_ =	shalt  }
0x78: {  	_ =	shalt  }
0x79: {  	_ =	shalt  }
0x7a: {  	_ =	shalt  }
0x7b: {  	_ =	shalt  }
0x7c: {  	_ =	shalt  }
0x7d: {  	_ =	shalt  }
0x7e: {  	_ =	shalt  }
0x7f: {  	_ =	shalt  }
0x80: {  	_ =	shalt  }
0x81: {  	_ =	shalt  }
0x82: {  	_ =	shalt  }
0x83: {  	_ =	shalt  }
0x84: {  	_ =	shalt  }
0x85: {  	_ =	shalt  }
0x86: {  	_ =	shalt  }
0x87: {  	_ =	shalt  }
.Lfunc_end0:
.L_simem_size_0:
called_computation_lowered:
.L_overlay_start_0:
0x88: {  	s2 =	sld [smem:$0x3FD9]  }
0x89: {  	s3 =	sld [smem:$0x3FFE];
	_ =	sdelay $0x1  }
0x8a: {  	s1 =	srdreg.scid  }
0x8b: {  	s0 =	sand.u32 $0x1, s1  }
0x8c: {  	s17 =	sshll.u32 s0, $0xA;
	s2 =	sadd.s32 s3, s2  }
0x8d: {  	s2 =	sadd.s32 s2, s17  }
0x8e: {  	[smem:$0x3FBB] =	sst s2  }
0x8f: {  	_ = 	snop  }
0x90: {  	s2 =	sld [smem:$0x3FD0];
	(tm) =	ssettm $0x1  }
0x91: {  	s18 =	sld [smem:$0x3FFB];
	_ =	sdelay $0x3  }
0x92: {  	_ =	strace s18  }
0x93: {  	s3 =	sld [smem:$0x3FFC];
	_ =	sdelay $0x3  }
0x94: {  	_ =	strace s3  }
0x95: {  	s3 =	sld [smem:$0x3FFD];
	_ =	sdelay $0x3  }
0x96: {  	_ =	strace s3  }
0x97: {  	_ =	strace $0x8FFFFFFF  }
0x98: {  	s19 =	sld [smem:$0x3FDB];
	_ =	sdelay $0x1  }
0x99: {  	s4 =	simm.s32 $_scs_section_size  }
0x9a: {  	s5 =	simm.s32 $_size__tile_overlayer_lowered;
	s6 =	simm.s32 $_tile_overlayer_lowered  }
0x9b: {  	s22 =	simm.s32 $0x1BFF;
	s21 =	sshll.u32 s6, $0x1;
	s3 =	sadd.s32 s4, s19  }
0x9c: {  	s7 =	simm.s32 $0x0;
	s20 =	sshll.u32 s5, $0x1;
	s5 =	sadd.s32 s21, s3  }
0x9d: {  	[timem:s7], [sflag:s22] =	dma.local [hbm:s5], s20  }
0x9e: {  	_ =	swait.ge [sflag:s22], s20  }
0x9f: {  	s4 =	ssub.s32 $0x0, s20;
	[sflag:s22] =	ssyncset.done $0x0  }
0xa0: {  	[sflag:s22] =	ssyncadd.s32 s4;
	_ =	sdelay $0x1  }
0xa1: {  	s23 =	simm.s32 $0x1B8B  }
0xa2: {  	_ =	swait.ge [sflag:s23], $0x1  }
0xa3: {  	[sflag:s23] =	ssyncset.done $0x0  }
0xa4: {  	s25 =	simm.s32 $0x1B8E;
	s24 =	sld [smem:$0x3FFE];
	[sflag:s23] =	ssyncadd.s32 $0xFFFFFFFF  }
0xa5: {  	s26 =	simm.s32 $execute0_lowered;
	[smem:$0x3FD2] =	sst s25  }
0xa6: {  	s5 =	sshll.u32 s26, $0x1;
	_ =	strace $0x80000046;
	[dreg:$0x1] =	wrdreg $0xFFFFFFFF  }
0xa7: {  	s28 =	simm.s32 $_size_execute0_lowered;
	s3 =	sadd.s32 s3, s5;
	[dreg:$0x0] =	wrdreg $0x0  }
0xa8: {  	s5 =	sshll.u32 s28, $0x1;
	[dreg:$0x2] =	wrdreg s3  }
0xa9: {  	[dreg:$0x3] =	wrdreg s5  }
0xaa: {  	[dreg:$0x4] =	wrdreg $0xC0  }
0xab: {  	_ =	task [dreg:s7], $0x5FFFF  }
0xac: {  	[dreg:$0x1] =	wrdreg $0xFFFFFFFF  }
0xad: {  	[dreg:$0x0] =	wrdreg $0x60  }
0xae: {  	[dreg:$0x2] =	wrdreg s24  }
0xaf: {  	[dreg:$0x3] =	wrdreg s2  }
0xb0: {  	[dreg:$0x4] =	wrdreg $0x2A800  }
0xb1: {  	[dreg:$0x5] =	wrdreg $0x2D000  }
0xb2: {  	[dreg:$0x6] =	wrdreg $0x9  }
0xb3: {  	_ =	task.clear_ibuf [dreg:s7], $0x7FFFF;
	_ =	strace $0x90000046  }
0xb4: {  	s29 =	simm.s32 $0x9;
	_ =	strace $0x80000048  }
0xb5: {  	_ =	swait.ge [sflag:s29], $0x1  }
0xb6: {  	[sflag:s29] =	ssyncadd.s32 $0xFFFFFFFF  }
0xb7: {  	_ =	strace $0x90000048  }
0xb8: {  	_ =	sfence  }
0xb9: {  	s30 =	sld [smem:$0x0];
	_ =	sdelay $0x2  }
0xba: {  	s31 =	sshll.u32 s1, $0xD;
	s1 =	sshrl.u32 s1, $0x2  }
0xbb: {  	s3 =	sand.u32 $0x4000, s31;
	s1 =	sadd.s32 s1, s30  }
0xbc: {  	s0 =	sor.u32 s3, s0;
	s1 =	sshll.u32 s1, $0x11  }
0xbd: {  	s0 =	sor.u32 s1, s0  }
0xbe: {  	s0 =	sadd.s32 $0x8F2B, s0  }
0xbf: {  	[sflag:s0] =	ssyncadd.remote.s32 $0x1  }
0xc0: {  	_ =	sfence.sel $0xFFFF  }
0xc1: {  	[dreg:$0x0] =	wrdreg $0xFFFFFFFF;
	(pc) =	sbr.abs _section_cstart, $3  }
0xc2: {  	[dreg:$0x1] =	wrdreg $0xFFFFFFFF  }
0xc3: {  	_ =	task.clear_ibuf [dreg:s7], $0x2FFFF;
	_ =	strace $0x9FFFFFFF  }
0xc4: {  	(tm) =	ssettm $0x7FFFFFFF  }
0xc5: {  	_ =	shalt  }
tec
execute0_lowered:
.L_overlay_start_1:
0x0: {  	(tag) =	ssettag $0x1  }
0x1: {  	s7 =	rddreg [dreg:$0x0]  }
0x2: {  	s11 =	rddreg [dreg:$0x1]  }
0x3: {  	s1 =	rddreg [dreg:$0x2]  }
0x4: {  	s2 =	rddreg [dreg:$0x3]  }
0x5: {  	s3 =	srdreg.scid;
	s0 =	rddreg [dreg:$0x4]  }
0x6: {  	s13 =	stileid.u32;
	s18 =	simm.s32 $0x80;
	s19 =	simm.s32 $0x2880  }
0x7: {  	s20 =	simm.s32 $0x2900;
	s21 =	simm.s32 $0x10;
	s22 =	simm.s32 $0x0  }
0x8: {  	s6 =	sand.u32 $0x1, s3;
	s3 =	simm.s32 $0x0;
	s9 =	sshll.u32 s13, $0x7  }
0x9: {  	s15 =	smul.u32 $0xA00, s13;
	s31 =	sshll.u32 s13, $0x6;
	p0 =	sne.s32 s13, $0x0  }
0xa: {  	s12 =	sshll.u32 s6, $0x4;
	[smem:$0x7FF] =	sst s3;
	s9 =	sand.u32 $0x380, s9  }
0xb: {  	s28 =	ssub.s32 $0x2, s6;
	s6 =	sadd.s32 $0xF800, s7;
	s4 =	sor.u32 s13, s12  }
0xc: {  	_ =	strace $0x80000047;
	s29 =	sshrl.u32 s28, $0x1;
	s30 =	sshrl.u32 s15, $0x2  }
0xd: {  	s11 =	sadd.s32 s11, s12;
	s5 =	smul.u32 $0x500, s4;
	s8 =	sshrl.u32 s4, $0x3  }
0xe: {  	s4 =	sshll.u32 s4, $0x6;
	s17 =	ssub.s32 s28, s29;
	s15 =	sadd.s32 s30, s1  }
0xf: {  	s8 =	smul.u32 $0x1400, s8;
	s14 =	sadd.s32 s4, s7;
	s4 =	sadd.s32 $0xF600, s7  }
0x10: {  	s12 =	smax.u32 s17, $0x1;
	s13 =	sshrl.u32 s15, $0x3;
	s15 =	sshrl.u32 @!p0 s2, $0x3  }
0x11: {  	s17 =	simm.s32 $0x2A00;
	s10 =	sadd.s32 s5, s7;
	s8 =	sor.u32 s9, s8  }
0x12: {  	s5 =	sadd.s32 $0xF400, s7;
	s9 =	sadd.s32 $0xEC00, s14;
	s8 =	sshrl.u32 s8, $0x3  }
0x13: {  	s14 =	simm.s32 $0x1;
	s16 =	sadd.s32 s8, s7;
	s7 =	sor.u32 $0x1C01, s31  }
0x14: {  	s8 =	sadd.s32 $0x4C00, s10;
	s10 =	sadd.s32 $0xFA00, s16;
	s16 =	simm.s32 $0x2800  }
.LBB2_1:
0x15: {  	[spmem:s13], [sflag:s7] =	dma.local [hbm:s4], $0x50  }
0x16: {  	_ =	swait.ge [sflag:s14], $0x50  }
0x17: {  	[sflag:s14] =	ssyncset.done $0x0  }
0x18: {  	s23 =	simm.s32 @!p0 $0x1;
	[sflag:s14] =	ssyncadd.s32 $0xFFFFFFB0  }
0x19: {  	[spmem:s15], [sflag:s7] =	dma.local @!p0 [hbm:s5], $0x50  }
0x1a: {  	_ =	swait.ge @!p0 [sflag:s23], $0x50  }
0x1b: {  	[sflag:s23] =	ssyncset.done @!p0 $0x0  }
0x1c: {  	[sflag:s23] =	ssyncadd.s32 @!p0 $0xFFFFFFB0  }
0x1d: {  	[tilespmem:s3], [sflag:$0x1] =	stream.linear.gather [hbm4b:s8+s3], $0x2780, $0x38;
	[tilespmem:$0x2D28] =	vst v63  }
0x1e: {  	_ =	swait.ge [sflag:s14], $0x2780  }
0x1f: {  	[sflag:s14] =	ssyncset.done $0x0  }
0x20: {  	[sflag:s14] =	ssyncadd.s32 $0xFFFFD880  }
0x21: {  	[tilespmem:s16], [sflag:$0x1] =	stream.linear.gather [hbm4b:s9+s3], $0x180, $0x38;
	[tilespmem:$0x2D28] =	vst v63  }
0x22: {  	_ =	swait.ge [sflag:s14], $0x180  }
0x23: {  	[sflag:s14] =	ssyncset.done $0x0  }
0x24: {  	[sflag:s14] =	ssyncadd.s32 $0xFFFFFE80  }
0x25: {  	[tilespmem:s17], [sflag:$0x1] =	stream.linear.gather [hbm4b:s6+s3], $0x80, $0x38;
	[tilespmem:$0x2D28] =	vst v63  }
0x26: {  	_ =	swait.ge [sflag:s14], $0x80  }
0x27: {  	[sflag:s14] =	ssyncset.done $0x0  }
0x28: {  	[sflag:s14] =	ssyncadd.s32 $0xFFFFFF80  }
0x29: {  	s31 =	simm.s32 $0x0;
	[bflag:$0x0] =	sbarrier.arrive $0xFFFF  }
0x2a: {  	[spmem:s1] =	stream.indirect.scatter.add.f32 [tilespmem:s17], [sflag:$0x1], $0x1, s31, s18, $0xb8;
	[tilespmem:$0x2D28] =	vst v63  }
0x2b: {  	_ =	swait.ge [sflag:s14], $0x80  }
0x2c: {  	s23 =	simm.s32 $0x200;
	[sflag:s14] =	ssyncset.done $0x0  }
.LBB2_2:
0x2d: {  	s24 =	sshra.s32 s23, $0x2;
	[sflag:s14] =	ssyncadd.s32 $0xFFFFFF80;
	p1 =	sne.s32 s23, $0x9C00  }
0x2e: {  	[spmem:s1] =	stream.indirect.scatter.add.f32 [tilespmem:s17], [sflag:$0x1], $0x1, s24, s18, $0xb8;
	[tilespmem:$0x2D28] =	vst v63  }
.Ltmp0:
0x2f: {  	_ = 	snop;
	(pc) =	sbr.rel @p1 .LBB2_2-.Ltmp0, $4  }
0x30: {  	_ = 	snop  }
0x31: {  	s23 =	sadd.s32 $0x200, s23  }
0x32: {  	_ =	swait.ge [sflag:s14], $0x80  }
0x33: {  	[sflag:s14] =	ssyncset.done $0x0  }
0x34: {  	[sflag:s14] =	ssyncadd.s32 $0xFFFFFF80  }
0x35: {  	[spmem:s2] =	stream.indirect.scatter.add.f32 [tilespmem:s17], [sflag:$0x1], $0x1, s16, s18, $0xb8;
	[tilespmem:$0x2D28] =	vst v63  }
0x36: {  	_ =	swait.ge [sflag:s14], $0x80  }
0x37: {  	[sflag:s14] =	ssyncset.done $0x0  }
0x38: {  	[sflag:s14] =	ssyncadd.s32 $0xFFFFFF80  }
0x39: {  	[spmem:s2] =	stream.indirect.scatter.add.f32 [tilespmem:s17], [sflag:$0x1], $0x1, s19, s18, $0xb8;
	[tilespmem:$0x2D28] =	vst v63  }
0x3a: {  	_ =	swait.ge [sflag:s14], $0x80  }
0x3b: {  	[sflag:s14] =	ssyncset.done $0x0  }
0x3c: {  	[sflag:s14] =	ssyncadd.s32 $0xFFFFFF80  }
0x3d: {  	[spmem:s2] =	stream.indirect.scatter.add.f32 [tilespmem:s17], [sflag:$0x1], $0x1, s20, s18, $0xb8;
	[tilespmem:$0x2D28] =	vst v63  }
0x3e: {  	_ =	swait.ge [sflag:s14], $0x80  }
0x3f: {  	[sflag:s14] =	ssyncset.done $0x0  }
0x40: {  	[sflag:s14] =	ssyncadd.s32 $0xFFFFFF80  }
0x41: {  	[bflag:$0x0] =	sbarrier.arrive $0xFFFF  }
0x42: {  	[hbm:s10@s18], [sflag:s7] =	dma.strided [spmem:s13@s21], $0x50, s14, $0x10   }
0x43: {  	s23 =	simm.s32 @!p0 $0x1;
	s22 =	sadd.s32 $0x1, s22;
	_ =	swait.ge [sflag:s14], $0x50  }
0x44: {  	s24 =	simm.s32 @!p0 $0x20;
	p1 =	sne.s32 s22, s12;
	[sflag:s14] =	ssyncset.done $0x0  }
.Ltmp1:
0x45: {  	s25 =	simm.s32 @!p0 $0x10;
	[sflag:s14] =	ssyncadd.s32 $0xFFFFFFB0;
	(pc) =	sbr.rel @p1 .LBB2_1-.Ltmp1, $4  }
0x46: {  	[hbm:s11@s24], [sflag:s7] =	dma.strided @!p0 [spmem:s15@s25], $0x50, s23, $0x10   }
0x47: {  	_ =	swait.ge @!p0 [sflag:s23], $0x50  }
0x48: {  	[sflag:s23] =	ssyncset.done @!p0 $0x0  }
0x49: {  	[sflag:s23] =	ssyncadd.s32 @!p0 $0xFFFFFFB0  }
0x4a: {  	_ =	sfence.sel $0x180000  }
0x4b: {  	[bflag:$0x0] =	sbarrier.arrive $0xFFFF  }
0x4c: {  	_ =	strace $0x90000047  }
0x4d: {  	s0 =	sadd.s32 @!p0 $0x100000, s0;
	[bflag:$0x2] =	sbarrier.arrive $0xFFFF  }
0x4e: {  	[sflag:s0] =	ssyncadd.tile.s32 @!p0 $0x1;
	_ =	shalt  }
.Lfunc_end2:
_tile_overlayer_lowered:
.L_overlay_start_2:
0x4f: {  	(tag) =	ssettag $0x2  }
0x50: {  	s0 =	rddreg [dreg:$0x0];
	s2 =	stileid.u32  }
0x51: {  	s1 =	rddreg [dreg:$0x1];
	p0 =	sne.s32 s2, $0x0  }
0x52: {  	s3 =	rddreg [dreg:$0x2];
	[bflag:$0x3] =	sbarrier.arrive $0xFFFF;
	s2 =	simm.s32 @!p0 $0x1C01  }
0x53: {  	[timem:s3], [sflag:s2] =	dma.local @!p0 [hbm:s0], s1  }
0x54: {  	s0 =	simm.s32 @!p0 $0x1  }
0x55: {  	_ =	swait.ge @!p0 [sflag:s0], s1  }
0x56: {  	s1 =	ssub.s32 @!p0 $0x0, s1;
	[sflag:s0] =	ssyncset.done @!p0 $0x0  }
0x57: {  	[sflag:s0] =	ssyncadd.s32 @!p0 s1  }
0x58: {  	[bflag:$0x3] =	sbarrier.arrive $0xFFFF  }
0x59: {  	_ =	shalt  }

// kernel: kernel.15.cloned.1.call-start
scs
__scs_entry_jumppad:
0x0: {  	(pc) =	sbr.rel $0x88, $3  }
0x1: {  	(tag) =	ssettag $0x0;
	lr =	simm.s32 $0x1  }
0x2: {  	[smem:$0x3F94] =	sst lr;
	_ =	strace $0xD0000000  }
0x3: {  	_ = 	snop  }
0x4: {  	_ = 	snop  }
0x5: {  	_ = 	snop  }
0x6: {  	_ = 	snop  }
0x7: {  	_ = 	snop  }
__scs_overlays_trampoline_lowered:
0x8: {  	[smem:$0x3FA3] =	sst s0  }
0x9: {  	[smem:$0x3FA4] =	sst s1  }
0xa: {  	[smem:$0x3FA5] =	sst s2  }
0xb: {  	[smem:$0x3FA6] =	sst s3  }
0xc: {  	[smem:$0x3FA7] =	sst s4  }
0xd: {  	[smem:$0x3FA8] =	sst s5  }
0xe: {  	[smem:$0x3FA9] =	sst s6  }
0xf: {  	[smem:$0x3FAA] =	sst s7  }
0x10: {  	[smem:$0x3FAB] =	sst s8  }
0x11: {  	[smem:$0x3FAC] =	sst s9;
	s0 =	simm.s32 @!p0 $0x0  }
0x12: {  	s1 =	sld [smem:$0x3F92];
	s0 =	simm.s32 @p0 $0x1  }
0x13: {  	[smem:$0x3FAD] =	sst s0;
	s0 =	simm.s32 @!p1 $0x0  }
0x14: {  	s2 =	sld [smem:$0x3F91];
	s0 =	simm.s32 @p1 $0x1  }
0x15: {  	[smem:$0x3FAE] =	sst s0;
	s0 =	simm.s32 @!p2 $0x0  }
0x16: {  	s3 =	sld [smem:$0x3FDB];
	s0 =	simm.s32 @p2 $0x1  }
0x17: {  	s4 =	simm.s32 $0x1BF5;
	[smem:$0x3FB0] =	sst s0  }
0x18: {  	s0 =	sld [smem:$0x3F93];
	_ =	swait.ge [sflag:s4], $0x0  }
0x19: {  	s7 =	sld [smem:$0x3F94]  }
0x1a: {  	s8 =	sadd.s32 $0xFFFFE003, lr  }
0x1b: {  	s9 =	sadd.s32 $0xFFFFFEF7, lr;
	s5 =	simm.s32 $0xFFFFFFFF;
	p2 =	slt.u32 s8, $0xFFFFF086  }
0x1c: {  	p1 =	slt.u32 s9, $0xF7A;
	s5 =	simm.s32 @!p2 $0x0  }
0x1d: {  	s5 =	simm.s32 @p1 $0x1;
	p0 =	seq.s32 s7, s2  }
0x1e: {  	s7 =	smul.u32 @!p0 $0xF7A, s2;
	p2 =	seq.s32 @!p0 s5, $0x0  }
0x1f: {  	s9 =	smul.u32 $0xF7A, s1;
	s8 =	simm.s32 @!p0 $0x1BF5;
	p2 =	por !p2, p0  }
0x20: {  	[sflag:s8] =	ssyncset.s32 @!p0 $0xFFFFF086;
	s6 =	sadd.s32 @!p0 s3, s7;
	s7 =	simm.s32 @!p0 $0x108  }
0x21: {  	s3 =	sadd.s32 s3, s9;
	s6 =	sadd.s32 @!p0 $0x88, s6;
	s7 =	simm.s32 @p2 $0x1082  }
0x22: {  	[simem:s7], [sflag:s8] =	dma.local @!p0 [hbm:s6], $0xF7A  }
0x23: {  	s9 =	sor.u32 $0xD0000000, s2;
	s6 =	simm.s32 $0x108;
	_ =	swait.ge @!p0 [sflag:s8], $0x0  }
0x24: {  	s3 =	sadd.s32 $0x88, s3;
	s6 =	simm.s32 @!p1 $0x1082;
	[sflag:s4] =	ssyncset.s32 $0xFFFFF086  }
0x25: {  	[simem:s6], [sflag:s4] =	dma.local [hbm:s3], $0xF7A  }
0x26: {  	[smem:$0x3F94] =	sst s1;
	(tag) =	ssettag s2;
	_ =	strace s9  }
0x27: {  	s1 =	sld [smem:$0x3FA4]  }
0x28: {  	s2 =	sld [smem:$0x3FA5]  }
0x29: {  	s4 =	sld [smem:$0x3FA7]  }
0x2a: {  	p0 =	seq.s32 s5, $0x0;
	s5 =	sld [smem:$0x3FA8]  }
0x2b: {  	s6 =	sld [smem:$0x3FA9]  }
0x2c: {  	s7 =	sld [smem:$0x3FAA]  }
0x2d: {  	s3 =	simm.s32 $0x108;
	s8 =	sld [smem:$0x3FAB]  }
0x2e: {  	s3 =	simm.s32 @!p0 $0x1082;
	s9 =	sld [smem:$0x3FAC]  }
0x2f: {  	lr =	sadd.s32 s0, s3;
	s0 =	sld [smem:$0x3FA3]  }
0x30: {  	s3 =	sld [smem:$0x3FA6]  }
0x31: {  	[smem:$0x3FAF] =	sst s10  }
0x32: {  	s10 =	sld [smem:$0x3FAD];
	_ =	sdelay $0x3  }
0x33: {  	p0 =	seq.s32 s10, $0x1;
	s10 =	sld [smem:$0x3FAF];
	_ =	sdelay $0x3  }
0x34: {  	[smem:$0x3FAF] =	sst s10  }
0x35: {  	s10 =	sld [smem:$0x3FAE];
	_ =	sdelay $0x3  }
0x36: {  	p1 =	seq.s32 s10, $0x1;
	s10 =	sld [smem:$0x3FAF];
	_ =	sdelay $0x3  }
0x37: {  	[smem:$0x3FAF] =	sst s10  }
0x38: {  	s10 =	sld [smem:$0x3FB0]  }
0x39: {  	_ = 	snop;
	(pc) =	sbr.ind lr, $3  }
0x3a: {  	_ = 	snop  }
0x3b: {  	_ = 	snop  }
0x3c: {  	p2 =	seq.s32 s10, $0x1;
	s10 =	sld [smem:$0x3FAF]  }
0x3d: {  	_ =	shalt  }
0x3e: {  	_ =	shalt  }
0x3f: {  	_ =	shalt  }
0x40: {  	_ =	shalt  }
0x41: {  	_ =	shalt  }
0x42: {  	_ =	shalt  }
0x43: {  	_ =	shalt  }
0x44: {  	_ =	shalt  }
0x45: {  	_ =	shalt  }
0x46: {  	_ =	shalt  }
0x47: {  	_ =	shalt  }
0x48: {  	_ =	shalt  }
0x49: {  	_ =	shalt  }
0x4a: {  	_ =	shalt  }
0x4b: {  	_ =	shalt  }
0x4c: {  	_ =	shalt  }
0x4d: {  	_ =	shalt  }
0x4e: {  	_ =	shalt  }
0x4f: {  	_ =	shalt  }
0x50: {  	_ =	shalt  }
0x51: {  	_ =	shalt  }
0x52: {  	_ =	shalt  }
0x53: {  	_ =	shalt  }
0x54: {  	_ =	shalt  }
0x55: {  	_ =	shalt  }
0x56: {  	_ =	shalt  }
0x57: {  	_ =	shalt  }
0x58: {  	_ =	shalt  }
0x59: {  	_ =	shalt  }
0x5a: {  	_ =	shalt  }
0x5b: {  	_ =	shalt  }
0x5c: {  	_ =	shalt  }
0x5d: {  	_ =	shalt  }
0x5e: {  	_ =	shalt  }
0x5f: {  	_ =	shalt  }
0x60: {  	_ =	shalt  }
0x61: {  	_ =	shalt  }
0x62: {  	_ =	shalt  }
0x63: {  	_ =	shalt  }
0x64: {  	_ =	shalt  }
0x65: {  	_ =	shalt  }
0x66: {  	_ =	shalt  }
0x67: {  	_ =	shalt  }
0x68: {  	_ =	shalt  }
0x69: {  	_ =	shalt  }
0x6a: {  	_ =	shalt  }
0x6b: {  	_ =	shalt  }
0x6c: {  	_ =	shalt  }
0x6d: {  	_ =	shalt  }
0x6e: {  	_ =	shalt  }
0x6f: {  	_ =	shalt  }
0x70: {  	_ =	shalt  }
0x71: {  	_ =	shalt  }
0x72: {  	_ =	shalt  }
0x73: {  	_ =	shalt  }
0x74: {  	_ =	shalt  }
0x75: {  	_ =	shalt  }
0x76: {  	_ =	shalt  }
0x77: {  	_ =	shalt  }
0x78: {  	_ =	shalt  }
0x79: {  	_ =	shalt  }
0x7a: {  	_ =	shalt  }
0x7b: {  	_ =	shalt  }
0x7c: {  	_ =	shalt  }
0x7d: {  	_ =	shalt  }
0x7e: {  	_ =	shalt  }
0x7f: {  	_ =	shalt  }
0x80: {  	_ =	shalt  }
0x81: {  	_ =	shalt  }
0x82: {  	_ =	shalt  }
0x83: {  	_ =	shalt  }
0x84: {  	_ =	shalt  }
0x85: {  	_ =	shalt  }
0x86: {  	_ =	shalt  }
0x87: {  	_ =	shalt  }
.Lfunc_end0:
.L_simem_size_0:
called_computation.1_lowered:
.L_overlay_start_0:
0x88: {  	s2 =	sld [smem:$0x3FD9]  }
0x89: {  	s3 =	sld [smem:$0x3FFE];
	_ =	sdelay $0x1  }
0x8a: {  	s1 =	srdreg.scid  }
0x8b: {  	s0 =	sand.u32 $0x1, s1  }
0x8c: {  	s16 =	sshll.u32 s0, $0xA;
	s2 =	sadd.s32 s3, s2  }
0x8d: {  	s2 =	sadd.s32 s2, s16  }
0x8e: {  	[smem:$0x3FBB] =	sst s2  }
0x8f: {  	_ = 	snop  }
0x90: {  	(tm) =	ssettm $0x1  }
0x91: {  	s17 =	sld [smem:$0x3FFB];
	_ =	sdelay $0x3  }
0x92: {  	_ =	strace s17  }
0x93: {  	s2 =	sld [smem:$0x3FFC];
	_ =	sdelay $0x3  }
0x94: {  	_ =	strace s2  }
0x95: {  	s2 =	sld [smem:$0x3FFD];
	_ =	sdelay $0x3  }
0x96: {  	_ =	strace s2  }
0x97: {  	_ =	strace $0x8FFFFFFF  }
0x98: {  	s18 =	sld [smem:$0x3FDB];
	_ =	sdelay $0x1  }
0x99: {  	s19 =	simm.s32 $_scs_section_size  }
0x9a: {  	s4 =	simm.s32 $_size__tile_overlayer_lowered;
	s5 =	simm.s32 $_tile_overlayer_lowered  }
0x9b: {  	s22 =	simm.s32 $0x1BFF;
	s21 =	sshll.u32 s5, $0x1;
	s2 =	sadd.s32 s19, s18  }
0x9c: {  	s6 =	simm.s32 $0x0;
	s20 =	sshll.u32 s4, $0x1;
	s4 =	sadd.s32 s21, s2  }
0x9d: {  	[timem:s6], [sflag:s22] =	dma.local [hbm:s4], s20  }
0x9e: {  	_ =	swait.ge [sflag:s22], s20  }
0x9f: {  	s3 =	ssub.s32 $0x0, s20;
	[sflag:s22] =	ssyncset.done $0x0  }
0xa0: {  	[sflag:s22] =	ssyncadd.s32 s3;
	_ =	sdelay $0x1  }
0xa1: {  	s23 =	simm.s32 $0x1B8B  }
0xa2: {  	_ =	swait.ge [sflag:s23], $0x1  }
0xa3: {  	[sflag:s23] =	ssyncset.done $0x0  }
0xa4: {  	s25 =	simm.s32 $0x1B8E;
	s24 =	sld [smem:$0x3FFE];
	[sflag:s23] =	ssyncadd.s32 $0xFFFFFFFF  }
0xa5: {  	s26 =	simm.s32 $execute0_lowered;
	[smem:$0x3FD2] =	sst s25  }
0xa6: {  	s4 =	sshll.u32 s26, $0x1;
	_ =	strace $0x80000049;
	[dreg:$0x1] =	wrdreg $0xFFFFFFFF  }
0xa7: {  	s28 =	simm.s32 $_size_execute0_lowered;
	s2 =	sadd.s32 s2, s4;
	[dreg:$0x0] =	wrdreg $0x0  }
0xa8: {  	s4 =	sshll.u32 s28, $0x1;
	[dreg:$0x2] =	wrdreg s2  }
0xa9: {  	[dreg:$0x3] =	wrdreg s4  }
0xaa: {  	[dreg:$0x4] =	wrdreg $0xC0  }
0xab: {  	_ =	task [dreg:s6], $0x5FFFF  }
0xac: {  	[dreg:$0x1] =	wrdreg $0xFFFFFFFF  }
0xad: {  	[dreg:$0x0] =	wrdreg $0x60  }
0xae: {  	[dreg:$0x2] =	wrdreg s24  }
0xaf: {  	[dreg:$0x3] =	wrdreg $0x90000  }
0xb0: {  	[dreg:$0x4] =	wrdreg $0x9  }
0xb1: {  	_ =	task.clear_ibuf [dreg:s6], $0x5FFFF;
	_ =	strace $0x90000049  }
0xb2: {  	s29 =	simm.s32 $0x9;
	_ =	strace $0x8000004B  }
0xb3: {  	_ =	swait.ge [sflag:s29], $0x1  }
0xb4: {  	[sflag:s29] =	ssyncadd.s32 $0xFFFFFFFF  }
0xb5: {  	_ =	strace $0x9000004B  }
0xb6: {  	_ =	sfence  }
0xb7: {  	s30 =	sld [smem:$0x0];
	_ =	sdelay $0x2  }
0xb8: {  	s31 =	sshll.u32 s1, $0xD;
	s1 =	sshrl.u32 s1, $0x2  }
0xb9: {  	s3 =	sand.u32 $0x4000, s31;
	s1 =	sadd.s32 s1, s30  }
0xba: {  	s0 =	sor.u32 s3, s0;
	s1 =	sshll.u32 s1, $0x11  }
0xbb: {  	s0 =	sor.u32 s1, s0  }
0xbc: {  	s0 =	sadd.s32 $0x8F2B, s0  }
0xbd: {  	[sflag:s0] =	ssyncadd.remote.s32 $0x1  }
0xbe: {  	_ =	sfence.sel $0xFFFF  }
0xbf: {  	[dreg:$0x0] =	wrdreg $0xFFFFFFFF;
	(pc) =	sbr.abs _section_cstart, $3  }
0xc0: {  	[dreg:$0x1] =	wrdreg $0xFFFFFFFF  }
0xc1: {  	_ =	task.clear_ibuf [dreg:s6], $0x2FFFF;
	_ =	strace $0x9FFFFFFF  }
0xc2: {  	(tm) =	ssettm $0x7FFFFFFF  }
0xc3: {  	_ =	shalt  }
tec
execute0_lowered:
.L_overlay_start_1:
0x0: {  	(tag) =	ssettag $0x1  }
0x1: {  	s7 =	rddreg [dreg:$0x0]  }
0x2: {  	s0 =	srdreg.scid;
	s2 =	rddreg [dreg:$0x1]  }
0x3: {  	s3 =	simm.s32 $0x0;
	s14 =	simm.s32 $0x80;
	s15 =	simm.s32 $0x5000  }
0x4: {  	s16 =	simm.s32 $0x1;
	s17 =	simm.s32 $0x0;
	s6 =	sand.u32 $0x1, s0  }
0x5: {  	s0 =	stileid.u32;
	[smem:$0x7FF] =	sst s3;
	s1 =	sshll.u32 s6, $0x4  }
0x6: {  	s9 =	smul.u32 $0x50000, s0;
	s6 =	ssub.s32 $0x2, s6;
	s4 =	sor.u32 s0, s1  }
0x7: {  	s31 =	sshll.u32 s0, $0x6;
	s1 =	rddreg [dreg:$0x2];
	s5 =	smul.u32 $0x500, s4  }
0x8: {  	_ =	strace $0x8000004A;
	s29 =	sshrl.u32 s6, $0x1;
	s8 =	smul.u32 $0x2800, s4  }
0x9: {  	s4 =	sadd.s32 $0x1A400, s7;
	s30 =	sshrl.u32 s9, $0x2;
	s12 =	ssub.s32 s6, s29  }
0xa: {  	s6 =	sor.u32 $0x1C02, s31;
	s13 =	sadd.s32 s30, s2;
	s10 =	sadd.s32 s5, s7  }
0xb: {  	s5 =	sadd.s32 $0x42400, s7;
	s11 =	sadd.s32 s8, s7;
	s7 =	sadd.s32 $0x10400, s10  }
0xc: {  	s8 =	sadd.s32 $0x4C00, s10;
	s9 =	sadd.s32 $0x44C00, s11;
	s10 =	smax.u32 s12, $0x1  }
0xd: {  	s11 =	sshrl.u32 s13, $0x3;
	s12 =	simm.s32 $0x2;
	s13 =	simm.s32 $0x2800  }
.LBB2_1:
0xe: {  	[spmem:s11], [sflag:s6] =	dma.local [hbm:s5], $0x2800  }
0xf: {  	_ =	swait.ge [sflag:s12], $0x2800  }
0x10: {  	[sflag:s12] =	ssyncset.done $0x0  }
0x11: {  	[sflag:s12] =	ssyncadd.s32 $0xFFFFD800  }
0x12: {  	[tilespmem:s3], [sflag:$0x2] =	stream.linear.gather [hbm4b:s7+s3], $0x2780, $0x38;
	[tilespmem:$0x1D000] =	vst v63  }
0x13: {  	_ =	swait.ge [sflag:s12], $0x2780  }
0x14: {  	[sflag:s12] =	ssyncset.done $0x0  }
0x15: {  	[sflag:s12] =	ssyncadd.s32 $0xFFFFD880  }
0x16: {  	[tilespmem:s13], [sflag:$0x2] =	stream.linear.gather [hbm4b:s8+s3], $0x2780, $0x38;
	[tilespmem:$0x1D000] =	vst v63  }
0x17: {  	_ =	swait.ge [sflag:s12], $0x2780  }
0x18: {  	[sflag:s12] =	ssyncset.done $0x0  }
0x19: {  	[sflag:s12] =	ssyncadd.s32 $0xFFFFD880  }
0x1a: {  	s18 =	simm.s32 $0x0;
	[bflag:$0x0] =	sbarrier.arrive $0xFFFF  }
0x1b: {  	[tilespmem:s15], [sflag:$0x1] =	stream.indirect.gather [hbm4b:s4+s14], $0x80, s18, s14, $0xb8;
	[tilespmem:$0x1D000] =	vst v63  }
0x1c: {  	_ =	swait.ge [sflag:s16], $0x4000  }
0x1d: {  	[sflag:s16] =	ssyncset.done $0x0  }
0x1e: {  	s31 =	simm.s32 $0x2800;
	[sflag:s16] =	ssyncadd.s32 $0xFFFFC000  }
0x1f: {  	[spmem:s2] =	stream.indirect.scatter.add.f32 [tilespmem:s15], [sflag:$0x2], $0x80, s31, s14, $0xb8;
	[tilespmem:$0x1D000] =	vst v63  }
0x20: {  	_ =	swait.ge [sflag:s12], $0x4000  }
0x21: {  	s19 =	simm.s32 $0x400;
	s18 =	simm.s32 $0x200;
	[sflag:s12] =	ssyncset.done $0x0  }
.LBB2_2:
0x22: {  	s20 =	sshra.s32 s18, $0x2  }
0x23: {  	[sflag:s12] =	ssyncadd.s32 $0xFFFFC000;
	s18 =	smov.u32 s19;
	s21 =	sadd.s32 $0x200, s19  }
0x24: {  	[tilespmem:s15], [sflag:$0x1] =	stream.indirect.gather [hbm4b:s4+s14], $0x80, s20, s14, $0xb8;
	[tilespmem:$0x1D000] =	vst v63  }
0x25: {  	p0 =	sne.s32 s19, $0x9C00;
	_ =	swait.ge [sflag:s16], $0x4000  }
.Ltmp0:
0x26: {  	[sflag:s16] =	ssyncset.done $0x0;
	(pc) =	sbr.rel @p0 .LBB2_2-.Ltmp0, $4  }
0x27: {  	s19 =	sadd.s32 $0x2800, s20;
	[sflag:s16] =	ssyncadd.s32 $0xFFFFC000  }
0x28: {  	[spmem:s2] =	stream.indirect.scatter.add.f32 [tilespmem:s15], [sflag:$0x2], $0x80, s19, s14, $0xb8;
	[tilespmem:$0x1D000] =	vst v63  }
0x29: {  	_ =	swait.ge [sflag:s12], $0x4000  }
0x2a: {  	s19 =	smov.u32 s21;
	[sflag:s12] =	ssyncset.done $0x0  }
0x2b: {  	s18 =	sshra.s32 s18, $0x2;
	[sflag:s12] =	ssyncadd.s32 $0xFFFFC000  }
0x2c: {  	[tilespmem:s15], [sflag:$0x1] =	stream.indirect.gather [hbm4b:s4+s14], $0x80, s18, s14, $0xb8;
	[tilespmem:$0x1D000] =	vst v63  }
0x2d: {  	_ =	swait.ge [sflag:s16], $0x4000  }
0x2e: {  	[sflag:s16] =	ssyncset.done $0x0  }
0x2f: {  	s18 =	sadd.s32 $0x2800, s18;
	[sflag:s16] =	ssyncadd.s32 $0xFFFFC000  }
0x30: {  	[spmem:s2] =	stream.indirect.scatter.add.f32 [tilespmem:s15], [sflag:$0x2], $0x80, s18, s14, $0xb8;
	[tilespmem:$0x1D000] =	vst v63  }
0x31: {  	_ =	swait.ge [sflag:s12], $0x4000  }
0x32: {  	s17 =	sadd.s32 $0x1, s17;
	[sflag:s12] =	ssyncset.done $0x0  }
0x33: {  	p0 =	sne.s32 s17, s10;
	[sflag:s12] =	ssyncadd.s32 $0xFFFFC000  }
.Ltmp1:
0x34: {  	[bflag:$0x0] =	sbarrier.arrive $0xFFFF;
	(pc) =	sbr.rel @p0 .LBB2_1-.Ltmp1, $4  }
0x35: {  	[hbm:s9], [sflag:s6] =	dma.local [spmem:s11], $0x2800  }
0x36: {  	_ =	swait.ge [sflag:s12], $0x2800  }
0x37: {  	[sflag:s12] =	ssyncset.done $0x0  }
0x38: {  	[sflag:s12] =	ssyncadd.s32 $0xFFFFD800  }
0x39: {  	_ =	sfence.sel $0x180000  }
0x3a: {  	[bflag:$0x0] =	sbarrier.arrive $0xFFFF  }
0x3b: {  	p0 =	sne.s32 s0, $0x0;
	_ =	strace $0x9000004A  }
0x3c: {  	s0 =	sadd.s32 @!p0 $0x100000, s1;
	[bflag:$0x2] =	sbarrier.arrive $0xFFFF  }
0x3d: {  	[sflag:s0] =	ssyncadd.tile.s32 @!p0 $0x1;
	_ =	shalt  }
.Lfunc_end2:
_tile_overlayer_lowered:
.L_overlay_start_2:
0x3e: {  	(tag) =	ssettag $0x2  }
0x3f: {  	s0 =	rddreg [dreg:$0x0];
	s2 =	stileid.u32  }
0x40: {  	s1 =	rddreg [dreg:$0x1];
	p0 =	sne.s32 s2, $0x0  }
0x41: {  	s3 =	rddreg [dreg:$0x2];
	[bflag:$0x3] =	sbarrier.arrive $0xFFFF;
	s2 =	simm.s32 @!p0 $0x1C02  }
0x42: {  	[timem:s3], [sflag:s2] =	dma.local @!p0 [hbm:s0], s1  }
0x43: {  	s0 =	simm.s32 @!p0 $0x2  }
0x44: {  	_ =	swait.ge @!p0 [sflag:s0], s1  }
0x45: {  	s1 =	ssub.s32 @!p0 $0x0, s1;
	[sflag:s0] =	ssyncset.done @!p0 $0x0  }
0x46: {  	[sflag:s0] =	ssyncadd.s32 @!p0 s1  }
0x47: {  	[bflag:$0x3] =	sbarrier.arrive $0xFFFF  }
0x48: {  	_ =	shalt  }

// kernel: kernel.18.cloned.1.call-start
scs
__scs_entry_jumppad:
0x0: {  	(pc) =	sbr.rel $0x88, $3  }
0x1: {  	(tag) =	ssettag $0x0;
	lr =	simm.s32 $0x1  }
0x2: {  	[smem:$0x3F94] =	sst lr;
	_ =	strace $0xD0000000  }
0x3: {  	_ = 	snop  }
0x4: {  	_ = 	snop  }
0x5: {  	_ = 	snop  }
0x6: {  	_ = 	snop  }
0x7: {  	_ = 	snop  }
__scs_overlays_trampoline_lowered:
0x8: {  	[smem:$0x3FA3] =	sst s0  }
0x9: {  	[smem:$0x3FA4] =	sst s1  }
0xa: {  	[smem:$0x3FA5] =	sst s2  }
0xb: {  	[smem:$0x3FA6] =	sst s3  }
0xc: {  	[smem:$0x3FA7] =	sst s4  }
0xd: {  	[smem:$0x3FA8] =	sst s5  }
0xe: {  	[smem:$0x3FA9] =	sst s6  }
0xf: {  	[smem:$0x3FAA] =	sst s7  }
0x10: {  	[smem:$0x3FAB] =	sst s8  }
0x11: {  	[smem:$0x3FAC] =	sst s9;
	s0 =	simm.s32 @!p0 $0x0  }
0x12: {  	s1 =	sld [smem:$0x3F92];
	s0 =	simm.s32 @p0 $0x1  }
0x13: {  	[smem:$0x3FAD] =	sst s0;
	s0 =	simm.s32 @!p1 $0x0  }
0x14: {  	s2 =	sld [smem:$0x3F91];
	s0 =	simm.s32 @p1 $0x1  }
0x15: {  	[smem:$0x3FAE] =	sst s0;
	s0 =	simm.s32 @!p2 $0x0  }
0x16: {  	s3 =	sld [smem:$0x3FDB];
	s0 =	simm.s32 @p2 $0x1  }
0x17: {  	s4 =	simm.s32 $0x1BF5;
	[smem:$0x3FB0] =	sst s0  }
0x18: {  	s0 =	sld [smem:$0x3F93];
	_ =	swait.ge [sflag:s4], $0x0  }
0x19: {  	s7 =	sld [smem:$0x3F94]  }
0x1a: {  	s8 =	sadd.s32 $0xFFFFE003, lr  }
0x1b: {  	s9 =	sadd.s32 $0xFFFFFEF7, lr;
	s5 =	simm.s32 $0xFFFFFFFF;
	p2 =	slt.u32 s8, $0xFFFFF086  }
0x1c: {  	p1 =	slt.u32 s9, $0xF7A;
	s5 =	simm.s32 @!p2 $0x0  }
0x1d: {  	s5 =	simm.s32 @p1 $0x1;
	p0 =	seq.s32 s7, s2  }
0x1e: {  	s7 =	smul.u32 @!p0 $0xF7A, s2;
	p2 =	seq.s32 @!p0 s5, $0x0  }
0x1f: {  	s9 =	smul.u32 $0xF7A, s1;
	s8 =	simm.s32 @!p0 $0x1BF5;
	p2 =	por !p2, p0  }
0x20: {  	[sflag:s8] =	ssyncset.s32 @!p0 $0xFFFFF086;
	s6 =	sadd.s32 @!p0 s3, s7;
	s7 =	simm.s32 @!p0 $0x108  }
0x21: {  	s3 =	sadd.s32 s3, s9;
	s6 =	sadd.s32 @!p0 $0x88, s6;
	s7 =	simm.s32 @p2 $0x1082  }
0x22: {  	[simem:s7], [sflag:s8] =	dma.local @!p0 [hbm:s6], $0xF7A  }
0x23: {  	s9 =	sor.u32 $0xD0000000, s2;
	s6 =	simm.s32 $0x108;
	_ =	swait.ge @!p0 [sflag:s8], $0x0  }
0x24: {  	s3 =	sadd.s32 $0x88, s3;
	s6 =	simm.s32 @!p1 $0x1082;
	[sflag:s4] =	ssyncset.s32 $0xFFFFF086  }
0x25: {  	[simem:s6], [sflag:s4] =	dma.local [hbm:s3], $0xF7A  }
0x26: {  	[smem:$0x3F94] =	sst s1;
	(tag) =	ssettag s2;
	_ =	strace s9  }
0x27: {  	s1 =	sld [smem:$0x3FA4]  }
0x28: {  	s2 =	sld [smem:$0x3FA5]  }
0x29: {  	s4 =	sld [smem:$0x3FA7]  }
0x2a: {  	p0 =	seq.s32 s5, $0x0;
	s5 =	sld [smem:$0x3FA8]  }
0x2b: {  	s6 =	sld [smem:$0x3FA9]  }
0x2c: {  	s7 =	sld [smem:$0x3FAA]  }
0x2d: {  	s3 =	simm.s32 $0x108;
	s8 =	sld [smem:$0x3FAB]  }
0x2e: {  	s3 =	simm.s32 @!p0 $0x1082;
	s9 =	sld [smem:$0x3FAC]  }
0x2f: {  	lr =	sadd.s32 s0, s3;
	s0 =	sld [smem:$0x3FA3]  }
0x30: {  	s3 =	sld [smem:$0x3FA6]  }
0x31: {  	[smem:$0x3FAF] =	sst s10  }
0x32: {  	s10 =	sld [smem:$0x3FAD];
	_ =	sdelay $0x3  }
0x33: {  	p0 =	seq.s32 s10, $0x1;
	s10 =	sld [smem:$0x3FAF];
	_ =	sdelay $0x3  }
0x34: {  	[smem:$0x3FAF] =	sst s10  }
0x35: {  	s10 =	sld [smem:$0x3FAE];
	_ =	sdelay $0x3  }
0x36: {  	p1 =	seq.s32 s10, $0x1;
	s10 =	sld [smem:$0x3FAF];
	_ =	sdelay $0x3  }
0x37: {  	[smem:$0x3FAF] =	sst s10  }
0x38: {  	s10 =	sld [smem:$0x3FB0]  }
0x39: {  	_ = 	snop;
	(pc) =	sbr.ind lr, $3  }
0x3a: {  	_ = 	snop  }
0x3b: {  	_ = 	snop  }
0x3c: {  	p2 =	seq.s32 s10, $0x1;
	s10 =	sld [smem:$0x3FAF]  }
0x3d: {  	_ =	shalt  }
0x3e: {  	_ =	shalt  }
0x3f: {  	_ =	shalt  }
0x40: {  	_ =	shalt  }
0x41: {  	_ =	shalt  }
0x42: {  	_ =	shalt  }
0x43: {  	_ =	shalt  }
0x44: {  	_ =	shalt  }
0x45: {  	_ =	shalt  }
0x46: {  	_ =	shalt  }
0x47: {  	_ =	shalt  }
0x48: {  	_ =	shalt  }
0x49: {  	_ =	shalt  }
0x4a: {  	_ =	shalt  }
0x4b: {  	_ =	shalt  }
0x4c: {  	_ =	shalt  }
0x4d: {  	_ =	shalt  }
0x4e: {  	_ =	shalt  }
0x4f: {  	_ =	shalt  }
0x50: {  	_ =	shalt  }
0x51: {  	_ =	shalt  }
0x52: {  	_ =	shalt  }
0x53: {  	_ =	shalt  }
0x54: {  	_ =	shalt  }
0x55: {  	_ =	shalt  }
0x56: {  	_ =	shalt  }
0x57: {  	_ =	shalt  }
0x58: {  	_ =	shalt  }
0x59: {  	_ =	shalt  }
0x5a: {  	_ =	shalt  }
0x5b: {  	_ =	shalt  }
0x5c: {  	_ =	shalt  }
0x5d: {  	_ =	shalt  }
0x5e: {  	_ =	shalt  }
0x5f: {  	_ =	shalt  }
0x60: {  	_ =	shalt  }
0x61: {  	_ =	shalt  }
0x62: {  	_ =	shalt  }
0x63: {  	_ =	shalt  }
0x64: {  	_ =	shalt  }
0x65: {  	_ =	shalt  }
0x66: {  	_ =	shalt  }
0x67: {  	_ =	shalt  }
0x68: {  	_ =	shalt  }
0x69: {  	_ =	shalt  }
0x6a: {  	_ =	shalt  }
0x6b: {  	_ =	shalt  }
0x6c: {  	_ =	shalt  }
0x6d: {  	_ =	shalt  }
0x6e: {  	_ =	shalt  }
0x6f: {  	_ =	shalt  }
0x70: {  	_ =	shalt  }
0x71: {  	_ =	shalt  }
0x72: {  	_ =	shalt  }
0x73: {  	_ =	shalt  }
0x74: {  	_ =	shalt  }
0x75: {  	_ =	shalt  }
0x76: {  	_ =	shalt  }
0x77: {  	_ =	shalt  }
0x78: {  	_ =	shalt  }
0x79: {  	_ =	shalt  }
0x7a: {  	_ =	shalt  }
0x7b: {  	_ =	shalt  }
0x7c: {  	_ =	shalt  }
0x7d: {  	_ =	shalt  }
0x7e: {  	_ =	shalt  }
0x7f: {  	_ =	shalt  }
0x80: {  	_ =	shalt  }
0x81: {  	_ =	shalt  }
0x82: {  	_ =	shalt  }
0x83: {  	_ =	shalt  }
0x84: {  	_ =	shalt  }
0x85: {  	_ =	shalt  }
0x86: {  	_ =	shalt  }
0x87: {  	_ =	shalt  }
.Lfunc_end0:
.L_simem_size_0:
called_computation.2_lowered:
.L_overlay_start_0:
0x88: {  	s2 =	sld [smem:$0x3FD9]  }
0x89: {  	s3 =	sld [smem:$0x3FFE];
	_ =	sdelay $0x1  }
0x8a: {  	s1 =	srdreg.scid  }
0x8b: {  	s0 =	sand.u32 $0x1, s1  }
0x8c: {  	s16 =	sshll.u32 s0, $0xA;
	s2 =	sadd.s32 s3, s2  }
0x8d: {  	s2 =	sadd.s32 s2, s16  }
0x8e: {  	[smem:$0x3FBB] =	sst s2  }
0x8f: {  	_ = 	snop  }
0x90: {  	(tm) =	ssettm $0x1  }
0x91: {  	s17 =	sld [smem:$0x3FFB];
	_ =	sdelay $0x3  }
0x92: {  	_ =	strace s17  }
0x93: {  	s2 =	sld [smem:$0x3FFC];
	_ =	sdelay $0x3  }
0x94: {  	_ =	strace s2  }
0x95: {  	s2 =	sld [smem:$0x3FFD];
	_ =	sdelay $0x3  }
0x96: {  	_ =	strace s2  }
0x97: {  	_ =	strace $0x8FFFFFFF  }
0x98: {  	s18 =	sld [smem:$0x3FDB];
	_ =	sdelay $0x1  }
0x99: {  	s19 =	simm.s32 $_scs_section_size  }
0x9a: {  	s4 =	simm.s32 $_size__tile_overlayer_lowered;
	s5 =	simm.s32 $_tile_overlayer_lowered  }
0x9b: {  	s22 =	simm.s32 $0x1BFF;
	s21 =	sshll.u32 s5, $0x1;
	s2 =	sadd.s32 s19, s18  }
0x9c: {  	s6 =	simm.s32 $0x0;
	s20 =	sshll.u32 s4, $0x1;
	s4 =	sadd.s32 s21, s2  }
0x9d: {  	[timem:s6], [sflag:s22] =	dma.local [hbm:s4], s20  }
0x9e: {  	_ =	swait.ge [sflag:s22], s20  }
0x9f: {  	s3 =	ssub.s32 $0x0, s20;
	[sflag:s22] =	ssyncset.done $0x0  }
0xa0: {  	[sflag:s22] =	ssyncadd.s32 s3;
	_ =	sdelay $0x1  }
0xa1: {  	s23 =	simm.s32 $0x1B8B  }
0xa2: {  	_ =	swait.ge [sflag:s23], $0x1  }
0xa3: {  	[sflag:s23] =	ssyncset.done $0x0  }
0xa4: {  	s25 =	simm.s32 $0x1B8E;
	s24 =	sld [smem:$0x3FFE];
	[sflag:s23] =	ssyncadd.s32 $0xFFFFFFFF  }
0xa5: {  	s26 =	simm.s32 $execute0_lowered;
	[smem:$0x3FD2] =	sst s25  }
0xa6: {  	s4 =	sshll.u32 s26, $0x1;
	_ =	strace $0x8000004C;
	[dreg:$0x1] =	wrdreg $0xFFFFFFFF  }
0xa7: {  	s28 =	simm.s32 $_size_execute0_lowered;
	s2 =	sadd.s32 s2, s4;
	[dreg:$0x0] =	wrdreg $0x0  }
0xa8: {  	s4 =	sshll.u32 s28, $0x1;
	[dreg:$0x2] =	wrdreg s2  }
0xa9: {  	[dreg:$0x3] =	wrdreg s4  }
0xaa: {  	[dreg:$0x4] =	wrdreg $0xC0  }
0xab: {  	_ =	task [dreg:s6], $0x5FFFF  }
0xac: {  	[dreg:$0x1] =	wrdreg $0xFFFFFFFF  }
0xad: {  	[dreg:$0x0] =	wrdreg $0x60  }
0xae: {  	[dreg:$0x2] =	wrdreg s24  }
0xaf: {  	[dreg:$0x3] =	wrdreg $0x90000  }
0xb0: {  	[dreg:$0x4] =	wrdreg $0x9  }
0xb1: {  	_ =	task.clear_ibuf [dreg:s6], $0x5FFFF;
	_ =	strace $0x9000004C  }
0xb2: {  	s29 =	simm.s32 $0x9;
	_ =	strace $0x8000004E  }
0xb3: {  	_ =	swait.ge [sflag:s29], $0x1  }
0xb4: {  	[sflag:s29] =	ssyncadd.s32 $0xFFFFFFFF  }
0xb5: {  	_ =	strace $0x9000004E  }
0xb6: {  	_ =	sfence  }
0xb7: {  	s30 =	sld [smem:$0x0];
	_ =	sdelay $0x2  }
0xb8: {  	s31 =	sshll.u32 s1, $0xD;
	s1 =	sshrl.u32 s1, $0x2  }
0xb9: {  	s3 =	sand.u32 $0x4000, s31;
	s1 =	sadd.s32 s1, s30  }
0xba: {  	s0 =	sor.u32 s3, s0;
	s1 =	sshll.u32 s1, $0x11  }
0xbb: {  	s0 =	sor.u32 s1, s0  }
0xbc: {  	s0 =	sadd.s32 $0x8F2B, s0  }
0xbd: {  	[sflag:s0] =	ssyncadd.remote.s32 $0x1  }
0xbe: {  	_ =	sfence.sel $0xFFFF  }
0xbf: {  	[dreg:$0x0] =	wrdreg $0xFFFFFFFF;
	(pc) =	sbr.abs _section_cstart, $3  }
0xc0: {  	[dreg:$0x1] =	wrdreg $0xFFFFFFFF  }
0xc1: {  	_ =	task.clear_ibuf [dreg:s6], $0x2FFFF;
	_ =	strace $0x9FFFFFFF  }
0xc2: {  	(tm) =	ssettm $0x7FFFFFFF  }
0xc3: {  	_ =	shalt  }
tec
execute0_lowered:
.L_overlay_start_1:
0x0: {  	(tag) =	ssettag $0x1  }
0x1: {  	s7 =	rddreg [dreg:$0x0]  }
0x2: {  	s0 =	srdreg.scid;
	s2 =	rddreg [dreg:$0x1]  }
0x3: {  	s3 =	simm.s32 $0x0;
	s14 =	simm.s32 $0x80;
	s15 =	simm.s32 $0x5000  }
0x4: {  	s16 =	simm.s32 $0x1;
	s17 =	simm.s32 $0x0;
	s6 =	sand.u32 $0x1, s0  }
0x5: {  	s0 =	stileid.u32;
	[smem:$0x7FF] =	sst s3;
	s1 =	sshll.u32 s6, $0x4  }
0x6: {  	s9 =	smul.u32 $0x50000, s0;
	s6 =	ssub.s32 $0x2, s6;
	s4 =	sor.u32 s0, s1  }
0x7: {  	s31 =	sshll.u32 s0, $0x6;
	s1 =	rddreg [dreg:$0x2];
	s5 =	smul.u32 $0x500, s4  }
0x8: {  	_ =	strace $0x8000004D;
	s29 =	sshrl.u32 s6, $0x1;
	s8 =	smul.u32 $0x2800, s4  }
0x9: {  	s4 =	sadd.s32 $0x1A400, s7;
	s30 =	sshrl.u32 s9, $0x2;
	s12 =	ssub.s32 s6, s29  }
0xa: {  	s6 =	sor.u32 $0x1C02, s31;
	s13 =	sadd.s32 s30, s2;
	s10 =	sadd.s32 s5, s7  }
0xb: {  	s5 =	sadd.s32 $0x42400, s7;
	s11 =	sadd.s32 s8, s7;
	s7 =	sadd.s32 $0x10400, s10  }
0xc: {  	s8 =	sadd.s32 $0x4C00, s10;
	s9 =	sadd.s32 $0x44C00, s11;
	s10 =	smax.u32 s12, $0x1  }
0xd: {  	s11 =	sshrl.u32 s13, $0x3;
	s12 =	simm.s32 $0x2;
	s13 =	simm.s32 $0x2800  }
.LBB2_1:
0xe: {  	[spmem:s11], [sflag:s6] =	dma.local [hbm:s5], $0x2800  }
0xf: {  	_ =	swait.ge [sflag:s12], $0x2800  }
0x10: {  	[sflag:s12] =	ssyncset.done $0x0  }
0x11: {  	[sflag:s12] =	ssyncadd.s32 $0xFFFFD800  }
0x12: {  	[tilespmem:s3], [sflag:$0x2] =	stream.linear.gather [hbm4b:s7+s3], $0x2780, $0x38;
	[tilespmem:$0x1D000] =	vst v63  }
0x13: {  	_ =	swait.ge [sflag:s12], $0x2780  }
0x14: {  	[sflag:s12] =	ssyncset.done $0x0  }
0x15: {  	[sflag:s12] =	ssyncadd.s32 $0xFFFFD880  }
0x16: {  	[tilespmem:s13], [sflag:$0x2] =	stream.linear.gather [hbm4b:s8+s3], $0x2780, $0x38;
	[tilespmem:$0x1D000] =	vst v63  }
0x17: {  	_ =	swait.ge [sflag:s12], $0x2780  }
0x18: {  	[sflag:s12] =	ssyncset.done $0x0  }
0x19: {  	[sflag:s12] =	ssyncadd.s32 $0xFFFFD880  }
0x1a: {  	s18 =	simm.s32 $0x0;
	[bflag:$0x0] =	sbarrier.arrive $0xFFFF  }
0x1b: {  	[tilespmem:s15], [sflag:$0x1] =	stream.indirect.gather [hbm4b:s4+s14], $0x80, s18, s14, $0xb8;
	[tilespmem:$0x1D000] =	vst v63  }
0x1c: {  	_ =	swait.ge [sflag:s16], $0x4000  }
0x1d: {  	[sflag:s16] =	ssyncset.done $0x0  }
0x1e: {  	s31 =	simm.s32 $0x2800;
	[sflag:s16] =	ssyncadd.s32 $0xFFFFC000  }
0x1f: {  	[spmem:s2] =	stream.indirect.scatter.add.f32 [tilespmem:s15], [sflag:$0x2], $0x80, s31, s14, $0xb8;
	[tilespmem:$0x1D000] =	vst v63  }
0x20: {  	_ =	swait.ge [sflag:s12], $0x4000  }
0x21: {  	s19 =	simm.s32 $0x400;
	s18 =	simm.s32 $0x200;
	[sflag:s12] =	ssyncset.done $0x0  }
.LBB2_2:
0x22: {  	s20 =	sshra.s32 s18, $0x2  }
0x23: {  	[sflag:s12] =	ssyncadd.s32 $0xFFFFC000;
	s18 =	smov.u32 s19;
	s21 =	sadd.s32 $0x200, s19  }
0x24: {  	[tilespmem:s15], [sflag:$0x1] =	stream.indirect.gather [hbm4b:s4+s14], $0x80, s20, s14, $0xb8;
	[tilespmem:$0x1D000] =	vst v63  }
0x25: {  	p0 =	sne.s32 s19, $0x9C00;
	_ =	swait.ge [sflag:s16], $0x4000  }
.Ltmp0:
0x26: {  	[sflag:s16] =	ssyncset.done $0x0;
	(pc) =	sbr.rel @p0 .LBB2_2-.Ltmp0, $4  }
0x27: {  	s19 =	sadd.s32 $0x2800, s20;
	[sflag:s16] =	ssyncadd.s32 $0xFFFFC000  }
0x28: {  	[spmem:s2] =	stream.indirect.scatter.add.f32 [tilespmem:s15], [sflag:$0x2], $0x80, s19, s14, $0xb8;
	[tilespmem:$0x1D000] =	vst v63  }
0x29: {  	_ =	swait.ge [sflag:s12], $0x4000  }
0x2a: {  	s19 =	smov.u32 s21;
	[sflag:s12] =	ssyncset.done $0x0  }
0x2b: {  	s18 =	sshra.s32 s18, $0x2;
	[sflag:s12] =	ssyncadd.s32 $0xFFFFC000  }
0x2c: {  	[tilespmem:s15], [sflag:$0x1] =	stream.indirect.gather [hbm4b:s4+s14], $0x80, s18, s14, $0xb8;
	[tilespmem:$0x1D000] =	vst v63  }
0x2d: {  	_ =	swait.ge [sflag:s16], $0x4000  }
0x2e: {  	[sflag:s16] =	ssyncset.done $0x0  }
0x2f: {  	s18 =	sadd.s32 $0x2800, s18;
	[sflag:s16] =	ssyncadd.s32 $0xFFFFC000  }
0x30: {  	[spmem:s2] =	stream.indirect.scatter.add.f32 [tilespmem:s15], [sflag:$0x2], $0x80, s18, s14, $0xb8;
	[tilespmem:$0x1D000] =	vst v63  }
0x31: {  	_ =	swait.ge [sflag:s12], $0x4000  }
0x32: {  	s17 =	sadd.s32 $0x1, s17;
	[sflag:s12] =	ssyncset.done $0x0  }
0x33: {  	p0 =	sne.s32 s17, s10;
	[sflag:s12] =	ssyncadd.s32 $0xFFFFC000  }
.Ltmp1:
0x34: {  	[bflag:$0x0] =	sbarrier.arrive $0xFFFF;
	(pc) =	sbr.rel @p0 .LBB2_1-.Ltmp1, $4  }
0x35: {  	[hbm:s9], [sflag:s6] =	dma.local [spmem:s11], $0x2800  }
0x36: {  	_ =	swait.ge [sflag:s12], $0x2800  }
0x37: {  	[sflag:s12] =	ssyncset.done $0x0  }
0x38: {  	[sflag:s12] =	ssyncadd.s32 $0xFFFFD800  }
0x39: {  	_ =	sfence.sel $0x180000  }
0x3a: {  	[bflag:$0x0] =	sbarrier.arrive $0xFFFF  }
0x3b: {  	p0 =	sne.s32 s0, $0x0;
	_ =	strace $0x9000004D  }
0x3c: {  	s0 =	sadd.s32 @!p0 $0x100000, s1;
	[bflag:$0x2] =	sbarrier.arrive $0xFFFF  }
0x3d: {  	[sflag:s0] =	ssyncadd.tile.s32 @!p0 $0x1;
	_ =	shalt  }
.Lfunc_end2:
_tile_overlayer_lowered:
.L_overlay_start_2:
0x3e: {  	(tag) =	ssettag $0x2  }
0x3f: {  	s0 =	rddreg [dreg:$0x0];
	s2 =	stileid.u32  }
0x40: {  	s1 =	rddreg [dreg:$0x1];
	p0 =	sne.s32 s2, $0x0  }
0x41: {  	s3 =	rddreg [dreg:$0x2];
	[bflag:$0x3] =	sbarrier.arrive $0xFFFF;
	s2 =	simm.s32 @!p0 $0x1C02  }
0x42: {  	[timem:s3], [sflag:s2] =	dma.local @!p0 [hbm:s0], s1  }
0x43: {  	s0 =	simm.s32 @!p0 $0x2  }
0x44: {  	_ =	swait.ge @!p0 [sflag:s0], s1  }
0x45: {  	s1 =	ssub.s32 @!p0 $0x0, s1;
	[sflag:s0] =	ssyncset.done @!p0 $0x0  }
0x46: {  	[sflag:s0] =	ssyncadd.s32 @!p0 s1  }
0x47: {  	[bflag:$0x3] =	sbarrier.arrive $0xFFFF  }
0x48: {  	_ =	shalt  }

// kernel: kernel.21.cloned.1.call-start
scs
__scs_entry_jumppad:
0x0: {  	(pc) =	sbr.rel $0x88, $3  }
0x1: {  	(tag) =	ssettag $0x0;
	lr =	simm.s32 $0x1  }
0x2: {  	[smem:$0x3F94] =	sst lr;
	_ =	strace $0xD0000000  }
0x3: {  	_ = 	snop  }
0x4: {  	_ = 	snop  }
0x5: {  	_ = 	snop  }
0x6: {  	_ = 	snop  }
0x7: {  	_ = 	snop  }
__scs_overlays_trampoline_lowered:
0x8: {  	[smem:$0x3FA3] =	sst s0  }
0x9: {  	[smem:$0x3FA4] =	sst s1  }
0xa: {  	[smem:$0x3FA5] =	sst s2  }
0xb: {  	[smem:$0x3FA6] =	sst s3  }
0xc: {  	[smem:$0x3FA7] =	sst s4  }
0xd: {  	[smem:$0x3FA8] =	sst s5  }
0xe: {  	[smem:$0x3FA9] =	sst s6  }
0xf: {  	[smem:$0x3FAA] =	sst s7  }
0x10: {  	[smem:$0x3FAB] =	sst s8  }
0x11: {  	[smem:$0x3FAC] =	sst s9;
	s0 =	simm.s32 @!p0 $0x0  }
0x12: {  	s1 =	sld [smem:$0x3F92];
	s0 =	simm.s32 @p0 $0x1  }
0x13: {  	[smem:$0x3FAD] =	sst s0;
	s0 =	simm.s32 @!p1 $0x0  }
0x14: {  	s2 =	sld [smem:$0x3F91];
	s0 =	simm.s32 @p1 $0x1  }
0x15: {  	[smem:$0x3FAE] =	sst s0;
	s0 =	simm.s32 @!p2 $0x0  }
0x16: {  	s3 =	sld [smem:$0x3FDB];
	s0 =	simm.s32 @p2 $0x1  }
0x17: {  	s4 =	simm.s32 $0x1BF5;
	[smem:$0x3FB0] =	sst s0  }
0x18: {  	s0 =	sld [smem:$0x3F93];
	_ =	swait.ge [sflag:s4], $0x0  }
0x19: {  	s7 =	sld [smem:$0x3F94]  }
0x1a: {  	s8 =	sadd.s32 $0xFFFFE003, lr  }
0x1b: {  	s9 =	sadd.s32 $0xFFFFFEF7, lr;
	s5 =	simm.s32 $0xFFFFFFFF;
	p2 =	slt.u32 s8, $0xFFFFF086  }
0x1c: {  	p1 =	slt.u32 s9, $0xF7A;
	s5 =	simm.s32 @!p2 $0x0  }
0x1d: {  	s5 =	simm.s32 @p1 $0x1;
	p0 =	seq.s32 s7, s2  }
0x1e: {  	s7 =	smul.u32 @!p0 $0xF7A, s2;
	p2 =	seq.s32 @!p0 s5, $0x0  }
0x1f: {  	s9 =	smul.u32 $0xF7A, s1;
	s8 =	simm.s32 @!p0 $0x1BF5;
	p2 =	por !p2, p0  }
0x20: {  	[sflag:s8] =	ssyncset.s32 @!p0 $0xFFFFF086;
	s6 =	sadd.s32 @!p0 s3, s7;
	s7 =	simm.s32 @!p0 $0x108  }
0x21: {  	s3 =	sadd.s32 s3, s9;
	s6 =	sadd.s32 @!p0 $0x88, s6;
	s7 =	simm.s32 @p2 $0x1082  }
0x22: {  	[simem:s7], [sflag:s8] =	dma.local @!p0 [hbm:s6], $0xF7A  }
0x23: {  	s9 =	sor.u32 $0xD0000000, s2;
	s6 =	simm.s32 $0x108;
	_ =	swait.ge @!p0 [sflag:s8], $0x0  }
0x24: {  	s3 =	sadd.s32 $0x88, s3;
	s6 =	simm.s32 @!p1 $0x1082;
	[sflag:s4] =	ssyncset.s32 $0xFFFFF086  }
0x25: {  	[simem:s6], [sflag:s4] =	dma.local [hbm:s3], $0xF7A  }
0x26: {  	[smem:$0x3F94] =	sst s1;
	(tag) =	ssettag s2;
	_ =	strace s9  }
0x27: {  	s1 =	sld [smem:$0x3FA4]  }
0x28: {  	s2 =	sld [smem:$0x3FA5]  }
0x29: {  	s4 =	sld [smem:$0x3FA7]  }
0x2a: {  	p0 =	seq.s32 s5, $0x0;
	s5 =	sld [smem:$0x3FA8]  }
0x2b: {  	s6 =	sld [smem:$0x3FA9]  }
0x2c: {  	s7 =	sld [smem:$0x3FAA]  }
0x2d: {  	s3 =	simm.s32 $0x108;
	s8 =	sld [smem:$0x3FAB]  }
0x2e: {  	s3 =	simm.s32 @!p0 $0x1082;
	s9 =	sld [smem:$0x3FAC]  }
0x2f: {  	lr =	sadd.s32 s0, s3;
	s0 =	sld [smem:$0x3FA3]  }
0x30: {  	s3 =	sld [smem:$0x3FA6]  }
0x31: {  	[smem:$0x3FAF] =	sst s10  }
0x32: {  	s10 =	sld [smem:$0x3FAD];
	_ =	sdelay $0x3  }
0x33: {  	p0 =	seq.s32 s10, $0x1;
	s10 =	sld [smem:$0x3FAF];
	_ =	sdelay $0x3  }
0x34: {  	[smem:$0x3FAF] =	sst s10  }
0x35: {  	s10 =	sld [smem:$0x3FAE];
	_ =	sdelay $0x3  }
0x36: {  	p1 =	seq.s32 s10, $0x1;
	s10 =	sld [smem:$0x3FAF];
	_ =	sdelay $0x3  }
0x37: {  	[smem:$0x3FAF] =	sst s10  }
0x38: {  	s10 =	sld [smem:$0x3FB0]  }
0x39: {  	_ = 	snop;
	(pc) =	sbr.ind lr, $3  }
0x3a: {  	_ = 	snop  }
0x3b: {  	_ = 	snop  }
0x3c: {  	p2 =	seq.s32 s10, $0x1;
	s10 =	sld [smem:$0x3FAF]  }
0x3d: {  	_ =	shalt  }
0x3e: {  	_ =	shalt  }
0x3f: {  	_ =	shalt  }
0x40: {  	_ =	shalt  }
0x41: {  	_ =	shalt  }
0x42: {  	_ =	shalt  }
0x43: {  	_ =	shalt  }
0x44: {  	_ =	shalt  }
0x45: {  	_ =	shalt  }
0x46: {  	_ =	shalt  }
0x47: {  	_ =	shalt  }
0x48: {  	_ =	shalt  }
0x49: {  	_ =	shalt  }
0x4a: {  	_ =	shalt  }
0x4b: {  	_ =	shalt  }
0x4c: {  	_ =	shalt  }
0x4d: {  	_ =	shalt  }
0x4e: {  	_ =	shalt  }
0x4f: {  	_ =	shalt  }
0x50: {  	_ =	shalt  }
0x51: {  	_ =	shalt  }
0x52: {  	_ =	shalt  }
0x53: {  	_ =	shalt  }
0x54: {  	_ =	shalt  }
0x55: {  	_ =	shalt  }
0x56: {  	_ =	shalt  }
0x57: {  	_ =	shalt  }
0x58: {  	_ =	shalt  }
0x59: {  	_ =	shalt  }
0x5a: {  	_ =	shalt  }
0x5b: {  	_ =	shalt  }
0x5c: {  	_ =	shalt  }
0x5d: {  	_ =	shalt  }
0x5e: {  	_ =	shalt  }
0x5f: {  	_ =	shalt  }
0x60: {  	_ =	shalt  }
0x61: {  	_ =	shalt  }
0x62: {  	_ =	shalt  }
0x63: {  	_ =	shalt  }
0x64: {  	_ =	shalt  }
0x65: {  	_ =	shalt  }
0x66: {  	_ =	shalt  }
0x67: {  	_ =	shalt  }
0x68: {  	_ =	shalt  }
0x69: {  	_ =	shalt  }
0x6a: {  	_ =	shalt  }
0x6b: {  	_ =	shalt  }
0x6c: {  	_ =	shalt  }
0x6d: {  	_ =	shalt  }
0x6e: {  	_ =	shalt  }
0x6f: {  	_ =	shalt  }
0x70: {  	_ =	shalt  }
0x71: {  	_ =	shalt  }
0x72: {  	_ =	shalt  }
0x73: {  	_ =	shalt  }
0x74: {  	_ =	shalt  }
0x75: {  	_ =	shalt  }
0x76: {  	_ =	shalt  }
0x77: {  	_ =	shalt  }
0x78: {  	_ =	shalt  }
0x79: {  	_ =	shalt  }
0x7a: {  	_ =	shalt  }
0x7b: {  	_ =	shalt  }
0x7c: {  	_ =	shalt  }
0x7d: {  	_ =	shalt  }
0x7e: {  	_ =	shalt  }
0x7f: {  	_ =	shalt  }
0x80: {  	_ =	shalt  }
0x81: {  	_ =	shalt  }
0x82: {  	_ =	shalt  }
0x83: {  	_ =	shalt  }
0x84: {  	_ =	shalt  }
0x85: {  	_ =	shalt  }
0x86: {  	_ =	shalt  }
0x87: {  	_ =	shalt  }
.Lfunc_end0:
.L_simem_size_0:
called_computation.3_lowered:
.L_overlay_start_0:
0x88: {  	s2 =	sld [smem:$0x3FD9]  }
0x89: {  	s3 =	sld [smem:$0x3FFE];
	_ =	sdelay $0x1  }
0x8a: {  	s1 =	srdreg.scid  }
0x8b: {  	s0 =	sand.u32 $0x1, s1  }
0x8c: {  	s16 =	sshll.u32 s0, $0xA;
	s2 =	sadd.s32 s3, s2  }
0x8d: {  	s2 =	sadd.s32 s2, s16  }
0x8e: {  	[smem:$0x3FBB] =	sst s2  }
0x8f: {  	_ = 	snop  }
0x90: {  	(tm) =	ssettm $0x1  }
0x91: {  	s17 =	sld [smem:$0x3FFB];
	_ =	sdelay $0x3  }
0x92: {  	_ =	strace s17  }
0x93: {  	s2 =	sld [smem:$0x3FFC];
	_ =	sdelay $0x3  }
0x94: {  	_ =	strace s2  }
0x95: {  	s2 =	sld [smem:$0x3FFD];
	_ =	sdelay $0x3  }
0x96: {  	_ =	strace s2  }
0x97: {  	_ =	strace $0x8FFFFFFF  }
0x98: {  	s18 =	sld [smem:$0x3FDB];
	_ =	sdelay $0x1  }
0x99: {  	s19 =	simm.s32 $_scs_section_size  }
0x9a: {  	s4 =	simm.s32 $_size__tile_overlayer_lowered;
	s5 =	simm.s32 $_tile_overlayer_lowered  }
0x9b: {  	s22 =	simm.s32 $0x1BFF;
	s21 =	sshll.u32 s5, $0x1;
	s2 =	sadd.s32 s19, s18  }
0x9c: {  	s6 =	simm.s32 $0x0;
	s20 =	sshll.u32 s4, $0x1;
	s4 =	sadd.s32 s21, s2  }
0x9d: {  	[timem:s6], [sflag:s22] =	dma.local [hbm:s4], s20  }
0x9e: {  	_ =	swait.ge [sflag:s22], s20  }
0x9f: {  	s3 =	ssub.s32 $0x0, s20;
	[sflag:s22] =	ssyncset.done $0x0  }
0xa0: {  	[sflag:s22] =	ssyncadd.s32 s3;
	_ =	sdelay $0x1  }
0xa1: {  	s23 =	simm.s32 $0x1B8B  }
0xa2: {  	_ =	swait.ge [sflag:s23], $0x1  }
0xa3: {  	[sflag:s23] =	ssyncset.done $0x0  }
0xa4: {  	s25 =	simm.s32 $0x1B8E;
	s24 =	sld [smem:$0x3FFE];
	[sflag:s23] =	ssyncadd.s32 $0xFFFFFFFF  }
0xa5: {  	s26 =	simm.s32 $execute0_lowered;
	[smem:$0x3FD2] =	sst s25  }
0xa6: {  	s4 =	sshll.u32 s26, $0x1;
	_ =	strace $0x8000004F;
	[dreg:$0x1] =	wrdreg $0xFFFFFFFF  }
0xa7: {  	s28 =	simm.s32 $_size_execute0_lowered;
	s2 =	sadd.s32 s2, s4;
	[dreg:$0x0] =	wrdreg $0x0  }
0xa8: {  	s4 =	sshll.u32 s28, $0x1;
	[dreg:$0x2] =	wrdreg s2  }
0xa9: {  	[dreg:$0x3] =	wrdreg s4  }
0xaa: {  	[dreg:$0x4] =	wrdreg $0xC0  }
0xab: {  	_ =	task [dreg:s6], $0x5FFFF  }
0xac: {  	[dreg:$0x1] =	wrdreg $0xFFFFFFFF  }
0xad: {  	[dreg:$0x0] =	wrdreg $0x60  }
0xae: {  	[dreg:$0x2] =	wrdreg s24  }
0xaf: {  	[dreg:$0x3] =	wrdreg $0x90000  }
0xb0: {  	[dreg:$0x4] =	wrdreg $0x9  }
0xb1: {  	_ =	task.clear_ibuf [dreg:s6], $0x5FFFF;
	_ =	strace $0x9000004F  }
0xb2: {  	s29 =	simm.s32 $0x9;
	_ =	strace $0x80000051  }
0xb3: {  	_ =	swait.ge [sflag:s29], $0x1  }
0xb4: {  	[sflag:s29] =	ssyncadd.s32 $0xFFFFFFFF  }
0xb5: {  	_ =	strace $0x90000051  }
0xb6: {  	_ =	sfence  }
0xb7: {  	s30 =	sld [smem:$0x0];
	_ =	sdelay $0x2  }
0xb8: {  	s31 =	sshll.u32 s1, $0xD;
	s1 =	sshrl.u32 s1, $0x2  }
0xb9: {  	s3 =	sand.u32 $0x4000, s31;
	s1 =	sadd.s32 s1, s30  }
0xba: {  	s0 =	sor.u32 s3, s0;
	s1 =	sshll.u32 s1, $0x11  }
0xbb: {  	s0 =	sor.u32 s1, s0  }
0xbc: {  	s0 =	sadd.s32 $0x8F2B, s0  }
0xbd: {  	[sflag:s0] =	ssyncadd.remote.s32 $0x1  }
0xbe: {  	_ =	sfence.sel $0xFFFF  }
0xbf: {  	[dreg:$0x0] =	wrdreg $0xFFFFFFFF;
	(pc) =	sbr.abs _section_cstart, $3  }
0xc0: {  	[dreg:$0x1] =	wrdreg $0xFFFFFFFF  }
0xc1: {  	_ =	task.clear_ibuf [dreg:s6], $0x2FFFF;
	_ =	strace $0x9FFFFFFF  }
0xc2: {  	(tm) =	ssettm $0x7FFFFFFF  }
0xc3: {  	_ =	shalt  }
tec
execute0_lowered:
.L_overlay_start_1:
0x0: {  	(tag) =	ssettag $0x1  }
0x1: {  	s7 =	rddreg [dreg:$0x0]  }
0x2: {  	s0 =	srdreg.scid;
	s2 =	rddreg [dreg:$0x1]  }
0x3: {  	s3 =	simm.s32 $0x0;
	s14 =	simm.s32 $0x80;
	s15 =	simm.s32 $0x5000  }
0x4: {  	s16 =	simm.s32 $0x1;
	s17 =	simm.s32 $0x0;
	s6 =	sand.u32 $0x1, s0  }
0x5: {  	s0 =	stileid.u32;
	[smem:$0x7FF] =	sst s3;
	s1 =	sshll.u32 s6, $0x4  }
0x6: {  	s9 =	smul.u32 $0x50000, s0;
	s6 =	ssub.s32 $0x2, s6;
	s4 =	sor.u32 s0, s1  }
0x7: {  	s31 =	sshll.u32 s0, $0x6;
	s1 =	rddreg [dreg:$0x2];
	s5 =	smul.u32 $0x500, s4  }
0x8: {  	_ =	strace $0x80000050;
	s29 =	sshrl.u32 s6, $0x1;
	s8 =	smul.u32 $0x2800, s4  }
0x9: {  	s4 =	sadd.s32 $0x1A400, s7;
	s30 =	sshrl.u32 s9, $0x2;
	s12 =	ssub.s32 s6, s29  }
0xa: {  	s6 =	sor.u32 $0x1C02, s31;
	s13 =	sadd.s32 s30, s2;
	s10 =	sadd.s32 s5, s7  }
0xb: {  	s5 =	sadd.s32 $0x42400, s7;
	s11 =	sadd.s32 s8, s7;
	s7 =	sadd.s32 $0x10400, s10  }
0xc: {  	s8 =	sadd.s32 $0x4C00, s10;
	s9 =	sadd.s32 $0x44C00, s11;
	s10 =	smax.u32 s12, $0x1  }
0xd: {  	s11 =	sshrl.u32 s13, $0x3;
	s12 =	simm.s32 $0x2;
	s13 =	simm.s32 $0x2800  }
.LBB2_1:
0xe: {  	[spmem:s11], [sflag:s6] =	dma.local [hbm:s5], $0x2800  }
0xf: {  	_ =	swait.ge [sflag:s12], $0x2800  }
0x10: {  	[sflag:s12] =	ssyncset.done $0x0  }
0x11: {  	[sflag:s12] =	ssyncadd.s32 $0xFFFFD800  }
0x12: {  	[tilespmem:s3], [sflag:$0x2] =	stream.linear.gather [hbm4b:s7+s3], $0x2780, $0x38;
	[tilespmem:$0x1D000] =	vst v63  }
0x13: {  	_ =	swait.ge [sflag:s12], $0x2780  }
0x14: {  	[sflag:s12] =	ssyncset.done $0x0  }
0x15: {  	[sflag:s12] =	ssyncadd.s32 $0xFFFFD880  }
0x16: {  	[tilespmem:s13], [sflag:$0x2] =	stream.linear.gather [hbm4b:s8+s3], $0x2780, $0x38;
	[tilespmem:$0x1D000] =	vst v63  }
0x17: {  	_ =	swait.ge [sflag:s12], $0x2780  }
0x18: {  	[sflag:s12] =	ssyncset.done $0x0  }
0x19: {  	[sflag:s12] =	ssyncadd.s32 $0xFFFFD880  }
0x1a: {  	s18 =	simm.s32 $0x0;
	[bflag:$0x0] =	sbarrier.arrive $0xFFFF  }
0x1b: {  	[tilespmem:s15], [sflag:$0x1] =	stream.indirect.gather [hbm4b:s4+s14], $0x80, s18, s14, $0xb8;
	[tilespmem:$0x1D000] =	vst v63  }
0x1c: {  	_ =	swait.ge [sflag:s16], $0x4000  }
0x1d: {  	[sflag:s16] =	ssyncset.done $0x0  }
0x1e: {  	s31 =	simm.s32 $0x2800;
	[sflag:s16] =	ssyncadd.s32 $0xFFFFC000  }
0x1f: {  	[spmem:s2] =	stream.indirect.scatter.add.f32 [tilespmem:s15], [sflag:$0x2], $0x80, s31, s14, $0xb8;
	[tilespmem:$0x1D000] =	vst v63  }
0x20: {  	_ =	swait.ge [sflag:s12], $0x4000  }
0x21: {  	s19 =	simm.s32 $0x400;
	s18 =	simm.s32 $0x200;
	[sflag:s12] =	ssyncset.done $0x0  }
.LBB2_2:
0x22: {  	s20 =	sshra.s32 s18, $0x2  }
0x23: {  	[sflag:s12] =	ssyncadd.s32 $0xFFFFC000;
	s18 =	smov.u32 s19;
	s21 =	sadd.s32 $0x200, s19  }
0x24: {  	[tilespmem:s15], [sflag:$0x1] =	stream.indirect.gather [hbm4b:s4+s14], $0x80, s20, s14, $0xb8;
	[tilespmem:$0x1D000] =	vst v63  }
0x25: {  	p0 =	sne.s32 s19, $0x9C00;
	_ =	swait.ge [sflag:s16], $0x4000  }
.Ltmp0:
0x26: {  	[sflag:s16] =	ssyncset.done $0x0;
	(pc) =	sbr.rel @p0 .LBB2_2-.Ltmp0, $4  }
0x27: {  	s19 =	sadd.s32 $0x2800, s20;
	[sflag:s16] =	ssyncadd.s32 $0xFFFFC000  }
0x28: {  	[spmem:s2] =	stream.indirect.scatter.add.f32 [tilespmem:s15], [sflag:$0x2], $0x80, s19, s14, $0xb8;
	[tilespmem:$0x1D000] =	vst v63  }
0x29: {  	_ =	swait.ge [sflag:s12], $0x4000  }
0x2a: {  	s19 =	smov.u32 s21;
	[sflag:s12] =	ssyncset.done $0x0  }
0x2b: {  	s18 =	sshra.s32 s18, $0x2;
	[sflag:s12] =	ssyncadd.s32 $0xFFFFC000  }
0x2c: {  	[tilespmem:s15], [sflag:$0x1] =	stream.indirect.gather [hbm4b:s4+s14], $0x80, s18, s14, $0xb8;
	[tilespmem:$0x1D000] =	vst v63  }
0x2d: {  	_ =	swait.ge [sflag:s16], $0x4000  }
0x2e: {  	[sflag:s16] =	ssyncset.done $0x0  }
0x2f: {  	s18 =	sadd.s32 $0x2800, s18;
	[sflag:s16] =	ssyncadd.s32 $0xFFFFC000  }
0x30: {  	[spmem:s2] =	stream.indirect.scatter.add.f32 [tilespmem:s15], [sflag:$0x2], $0x80, s18, s14, $0xb8;
	[tilespmem:$0x1D000] =	vst v63  }
0x31: {  	_ =	swait.ge [sflag:s12], $0x4000  }
0x32: {  	s17 =	sadd.s32 $0x1, s17;
	[sflag:s12] =	ssyncset.done $0x0  }
0x33: {  	p0 =	sne.s32 s17, s10;
	[sflag:s12] =	ssyncadd.s32 $0xFFFFC000  }
.Ltmp1:
0x34: {  	[bflag:$0x0] =	sbarrier.arrive $0xFFFF;
	(pc) =	sbr.rel @p0 .LBB2_1-.Ltmp1, $4  }
0x35: {  	[hbm:s9], [sflag:s6] =	dma.local [spmem:s11], $0x2800  }
0x36: {  	_ =	swait.ge [sflag:s12], $0x2800  }
0x37: {  	[sflag:s12] =	ssyncset.done $0x0  }
0x38: {  	[sflag:s12] =	ssyncadd.s32 $0xFFFFD800  }
0x39: {  	_ =	sfence.sel $0x180000  }
0x3a: {  	[bflag:$0x0] =	sbarrier.arrive $0xFFFF  }
0x3b: {  	p0 =	sne.s32 s0, $0x0;
	_ =	strace $0x90000050  }
0x3c: {  	s0 =	sadd.s32 @!p0 $0x100000, s1;
	[bflag:$0x2] =	sbarrier.arrive $0xFFFF  }
0x3d: {  	[sflag:s0] =	ssyncadd.tile.s32 @!p0 $0x1;
	_ =	shalt  }
.Lfunc_end2:
_tile_overlayer_lowered:
.L_overlay_start_2:
0x3e: {  	(tag) =	ssettag $0x2  }
0x3f: {  	s0 =	rddreg [dreg:$0x0];
	s2 =	stileid.u32  }
0x40: {  	s1 =	rddreg [dreg:$0x1];
	p0 =	sne.s32 s2, $0x0  }
0x41: {  	s3 =	rddreg [dreg:$0x2];
	[bflag:$0x3] =	sbarrier.arrive $0xFFFF;
	s2 =	simm.s32 @!p0 $0x1C02  }
0x42: {  	[timem:s3], [sflag:s2] =	dma.local @!p0 [hbm:s0], s1  }
0x43: {  	s0 =	simm.s32 @!p0 $0x2  }
0x44: {  	_ =	swait.ge @!p0 [sflag:s0], s1  }
0x45: {  	s1 =	ssub.s32 @!p0 $0x0, s1;
	[sflag:s0] =	ssyncset.done @!p0 $0x0  }
0x46: {  	[sflag:s0] =	ssyncadd.s32 @!p0 s1  }
0x47: {  	[bflag:$0x3] =	sbarrier.arrive $0xFFFF  }
0x48: {  	_ =	shalt  }

// kernel: kernel.24.cloned.1.call-start
scs
__scs_entry_jumppad:
0x0: {  	(pc) =	sbr.rel $0x88, $3  }
0x1: {  	(tag) =	ssettag $0x0;
	lr =	simm.s32 $0x1  }
0x2: {  	[smem:$0x3F94] =	sst lr;
	_ =	strace $0xD0000000  }
0x3: {  	_ = 	snop  }
0x4: {  	_ = 	snop  }
0x5: {  	_ = 	snop  }
0x6: {  	_ = 	snop  }
0x7: {  	_ = 	snop  }
__scs_overlays_trampoline_lowered:
0x8: {  	[smem:$0x3FA3] =	sst s0  }
0x9: {  	[smem:$0x3FA4] =	sst s1  }
0xa: {  	[smem:$0x3FA5] =	sst s2  }
0xb: {  	[smem:$0x3FA6] =	sst s3  }
0xc: {  	[smem:$0x3FA7] =	sst s4  }
0xd: {  	[smem:$0x3FA8] =	sst s5  }
0xe: {  	[smem:$0x3FA9] =	sst s6  }
0xf: {  	[smem:$0x3FAA] =	sst s7  }
0x10: {  	[smem:$0x3FAB] =	sst s8  }
0x11: {  	[smem:$0x3FAC] =	sst s9;
	s0 =	simm.s32 @!p0 $0x0  }
0x12: {  	s1 =	sld [smem:$0x3F92];
	s0 =	simm.s32 @p0 $0x1  }
0x13: {  	[smem:$0x3FAD] =	sst s0;
	s0 =	simm.s32 @!p1 $0x0  }
0x14: {  	s2 =	sld [smem:$0x3F91];
	s0 =	simm.s32 @p1 $0x1  }
0x15: {  	[smem:$0x3FAE] =	sst s0;
	s0 =	simm.s32 @!p2 $0x0  }
0x16: {  	s3 =	sld [smem:$0x3FDB];
	s0 =	simm.s32 @p2 $0x1  }
0x17: {  	s4 =	simm.s32 $0x1BF5;
	[smem:$0x3FB0] =	sst s0  }
0x18: {  	s0 =	sld [smem:$0x3F93];
	_ =	swait.ge [sflag:s4], $0x0  }
0x19: {  	s7 =	sld [smem:$0x3F94]  }
0x1a: {  	s8 =	sadd.s32 $0xFFFFE003, lr  }
0x1b: {  	s9 =	sadd.s32 $0xFFFFFEF7, lr;
	s5 =	simm.s32 $0xFFFFFFFF;
	p2 =	slt.u32 s8, $0xFFFFF086  }
0x1c: {  	p1 =	slt.u32 s9, $0xF7A;
	s5 =	simm.s32 @!p2 $0x0  }
0x1d: {  	s5 =	simm.s32 @p1 $0x1;
	p0 =	seq.s32 s7, s2  }
0x1e: {  	s7 =	smul.u32 @!p0 $0xF7A, s2;
	p2 =	seq.s32 @!p0 s5, $0x0  }
0x1f: {  	s9 =	smul.u32 $0xF7A, s1;
	s8 =	simm.s32 @!p0 $0x1BF5;
	p2 =	por !p2, p0  }
0x20: {  	[sflag:s8] =	ssyncset.s32 @!p0 $0xFFFFF086;
	s6 =	sadd.s32 @!p0 s3, s7;
	s7 =	simm.s32 @!p0 $0x108  }
0x21: {  	s3 =	sadd.s32 s3, s9;
	s6 =	sadd.s32 @!p0 $0x88, s6;
	s7 =	simm.s32 @p2 $0x1082  }
0x22: {  	[simem:s7], [sflag:s8] =	dma.local @!p0 [hbm:s6], $0xF7A  }
0x23: {  	s9 =	sor.u32 $0xD0000000, s2;
	s6 =	simm.s32 $0x108;
	_ =	swait.ge @!p0 [sflag:s8], $0x0  }
0x24: {  	s3 =	sadd.s32 $0x88, s3;
	s6 =	simm.s32 @!p1 $0x1082;
	[sflag:s4] =	ssyncset.s32 $0xFFFFF086  }
0x25: {  	[simem:s6], [sflag:s4] =	dma.local [hbm:s3], $0xF7A  }
0x26: {  	[smem:$0x3F94] =	sst s1;
	(tag) =	ssettag s2;
	_ =	strace s9  }
0x27: {  	s1 =	sld [smem:$0x3FA4]  }
0x28: {  	s2 =	sld [smem:$0x3FA5]  }
0x29: {  	s4 =	sld [smem:$0x3FA7]  }
0x2a: {  	p0 =	seq.s32 s5, $0x0;
	s5 =	sld [smem:$0x3FA8]  }
0x2b: {  	s6 =	sld [smem:$0x3FA9]  }
0x2c: {  	s7 =	sld [smem:$0x3FAA]  }
0x2d: {  	s3 =	simm.s32 $0x108;
	s8 =	sld [smem:$0x3FAB]  }
0x2e: {  	s3 =	simm.s32 @!p0 $0x1082;
	s9 =	sld [smem:$0x3FAC]  }
0x2f: {  	lr =	sadd.s32 s0, s3;
	s0 =	sld [smem:$0x3FA3]  }
0x30: {  	s3 =	sld [smem:$0x3FA6]  }
0x31: {  	[smem:$0x3FAF] =	sst s10  }
0x32: {  	s10 =	sld [smem:$0x3FAD];
	_ =	sdelay $0x3  }
0x33: {  	p0 =	seq.s32 s10, $0x1;
	s10 =	sld [smem:$0x3FAF];
	_ =	sdelay $0x3  }
0x34: {  	[smem:$0x3FAF] =	sst s10  }
0x35: {  	s10 =	sld [smem:$0x3FAE];
	_ =	sdelay $0x3  }
0x36: {  	p1 =	seq.s32 s10, $0x1;
	s10 =	sld [smem:$0x3FAF];
	_ =	sdelay $0x3  }
0x37: {  	[smem:$0x3FAF] =	sst s10  }
0x38: {  	s10 =	sld [smem:$0x3FB0]  }
0x39: {  	_ = 	snop;
	(pc) =	sbr.ind lr, $3  }
0x3a: {  	_ = 	snop  }
0x3b: {  	_ = 	snop  }
0x3c: {  	p2 =	seq.s32 s10, $0x1;
	s10 =	sld [smem:$0x3FAF]  }
0x3d: {  	_ =	shalt  }
0x3e: {  	_ =	shalt  }
0x3f: {  	_ =	shalt  }
0x40: {  	_ =	shalt  }
0x41: {  	_ =	shalt  }
0x42: {  	_ =	shalt  }
0x43: {  	_ =	shalt  }
0x44: {  	_ =	shalt  }
0x45: {  	_ =	shalt  }
0x46: {  	_ =	shalt  }
0x47: {  	_ =	shalt  }
0x48: {  	_ =	shalt  }
0x49: {  	_ =	shalt  }
0x4a: {  	_ =	shalt  }
0x4b: {  	_ =	shalt  }
0x4c: {  	_ =	shalt  }
0x4d: {  	_ =	shalt  }
0x4e: {  	_ =	shalt  }
0x4f: {  	_ =	shalt  }
0x50: {  	_ =	shalt  }
0x51: {  	_ =	shalt  }
0x52: {  	_ =	shalt  }
0x53: {  	_ =	shalt  }
0x54: {  	_ =	shalt  }
0x55: {  	_ =	shalt  }
0x56: {  	_ =	shalt  }
0x57: {  	_ =	shalt  }
0x58: {  	_ =	shalt  }
0x59: {  	_ =	shalt  }
0x5a: {  	_ =	shalt  }
0x5b: {  	_ =	shalt  }
0x5c: {  	_ =	shalt  }
0x5d: {  	_ =	shalt  }
0x5e: {  	_ =	shalt  }
0x5f: {  	_ =	shalt  }
0x60: {  	_ =	shalt  }
0x61: {  	_ =	shalt  }
0x62: {  	_ =	shalt  }
0x63: {  	_ =	shalt  }
0x64: {  	_ =	shalt  }
0x65: {  	_ =	shalt  }
0x66: {  	_ =	shalt  }
0x67: {  	_ =	shalt  }
0x68: {  	_ =	shalt  }
0x69: {  	_ =	shalt  }
0x6a: {  	_ =	shalt  }
0x6b: {  	_ =	shalt  }
0x6c: {  	_ =	shalt  }
0x6d: {  	_ =	shalt  }
0x6e: {  	_ =	shalt  }
0x6f: {  	_ =	shalt  }
0x70: {  	_ =	shalt  }
0x71: {  	_ =	shalt  }
0x72: {  	_ =	shalt  }
0x73: {  	_ =	shalt  }
0x74: {  	_ =	shalt  }
0x75: {  	_ =	shalt  }
0x76: {  	_ =	shalt  }
0x77: {  	_ =	shalt  }
0x78: {  	_ =	shalt  }
0x79: {  	_ =	shalt  }
0x7a: {  	_ =	shalt  }
0x7b: {  	_ =	shalt  }
0x7c: {  	_ =	shalt  }
0x7d: {  	_ =	shalt  }
0x7e: {  	_ =	shalt  }
0x7f: {  	_ =	shalt  }
0x80: {  	_ =	shalt  }
0x81: {  	_ =	shalt  }
0x82: {  	_ =	shalt  }
0x83: {  	_ =	shalt  }
0x84: {  	_ =	shalt  }
0x85: {  	_ =	shalt  }
0x86: {  	_ =	shalt  }
0x87: {  	_ =	shalt  }
.Lfunc_end0:
.L_simem_size_0:
called_computation.4_lowered:
.L_overlay_start_0:
0x88: {  	s2 =	sld [smem:$0x3FD9]  }
0x89: {  	s3 =	sld [smem:$0x3FFE];
	_ =	sdelay $0x1  }
0x8a: {  	s1 =	srdreg.scid  }
0x8b: {  	s0 =	sand.u32 $0x1, s1  }
0x8c: {  	s16 =	sshll.u32 s0, $0xA;
	s2 =	sadd.s32 s3, s2  }
0x8d: {  	s2 =	sadd.s32 s2, s16  }
0x8e: {  	[smem:$0x3FBB] =	sst s2  }
0x8f: {  	_ = 	snop  }
0x90: {  	(tm) =	ssettm $0x1  }
0x91: {  	s17 =	sld [smem:$0x3FFB];
	_ =	sdelay $0x3  }
0x92: {  	_ =	strace s17  }
0x93: {  	s2 =	sld [smem:$0x3FFC];
	_ =	sdelay $0x3  }
0x94: {  	_ =	strace s2  }
0x95: {  	s2 =	sld [smem:$0x3FFD];
	_ =	sdelay $0x3  }
0x96: {  	_ =	strace s2  }
0x97: {  	_ =	strace $0x8FFFFFFF  }
0x98: {  	s18 =	sld [smem:$0x3FDB];
	_ =	sdelay $0x1  }
0x99: {  	s19 =	simm.s32 $_scs_section_size  }
0x9a: {  	s4 =	simm.s32 $_size__tile_overlayer_lowered;
	s5 =	simm.s32 $_tile_overlayer_lowered  }
0x9b: {  	s22 =	simm.s32 $0x1BFF;
	s21 =	sshll.u32 s5, $0x1;
	s2 =	sadd.s32 s19, s18  }
0x9c: {  	s6 =	simm.s32 $0x0;
	s20 =	sshll.u32 s4, $0x1;
	s4 =	sadd.s32 s21, s2  }
0x9d: {  	[timem:s6], [sflag:s22] =	dma.local [hbm:s4], s20  }
0x9e: {  	_ =	swait.ge [sflag:s22], s20  }
0x9f: {  	s3 =	ssub.s32 $0x0, s20;
	[sflag:s22] =	ssyncset.done $0x0  }
0xa0: {  	[sflag:s22] =	ssyncadd.s32 s3;
	_ =	sdelay $0x1  }
0xa1: {  	s23 =	simm.s32 $0x1B8B  }
0xa2: {  	_ =	swait.ge [sflag:s23], $0x1  }
0xa3: {  	[sflag:s23] =	ssyncset.done $0x0  }
0xa4: {  	s25 =	simm.s32 $0x1B8E;
	s24 =	sld [smem:$0x3FFE];
	[sflag:s23] =	ssyncadd.s32 $0xFFFFFFFF  }
0xa5: {  	s26 =	simm.s32 $execute0_lowered;
	[smem:$0x3FD2] =	sst s25  }
0xa6: {  	s4 =	sshll.u32 s26, $0x1;
	_ =	strace $0x80000052;
	[dreg:$0x1] =	wrdreg $0xFFFFFFFF  }
0xa7: {  	s28 =	simm.s32 $_size_execute0_lowered;
	s2 =	sadd.s32 s2, s4;
	[dreg:$0x0] =	wrdreg $0x0  }
0xa8: {  	s4 =	sshll.u32 s28, $0x1;
	[dreg:$0x2] =	wrdreg s2  }
0xa9: {  	[dreg:$0x3] =	wrdreg s4  }
0xaa: {  	[dreg:$0x4] =	wrdreg $0xC0  }
0xab: {  	_ =	task [dreg:s6], $0x5FFFF  }
0xac: {  	[dreg:$0x1] =	wrdreg $0xFFFFFFFF  }
0xad: {  	[dreg:$0x0] =	wrdreg $0x60  }
0xae: {  	[dreg:$0x2] =	wrdreg s24  }
0xaf: {  	[dreg:$0x3] =	wrdreg $0xC2000  }
0xb0: {  	[dreg:$0x4] =	wrdreg $0x9  }
0xb1: {  	_ =	task.clear_ibuf [dreg:s6], $0x5FFFF;
	_ =	strace $0x90000052  }
0xb2: {  	s29 =	simm.s32 $0x9;
	_ =	strace $0x80000054  }
0xb3: {  	_ =	swait.ge [sflag:s29], $0x1  }
0xb4: {  	[sflag:s29] =	ssyncadd.s32 $0xFFFFFFFF  }
0xb5: {  	_ =	strace $0x90000054  }
0xb6: {  	_ =	sfence  }
0xb7: {  	s30 =	sld [smem:$0x0];
	_ =	sdelay $0x2  }
0xb8: {  	s31 =	sshll.u32 s1, $0xD;
	s1 =	sshrl.u32 s1, $0x2  }
0xb9: {  	s3 =	sand.u32 $0x4000, s31;
	s1 =	sadd.s32 s1, s30  }
0xba: {  	s0 =	sor.u32 s3, s0;
	s1 =	sshll.u32 s1, $0x11  }
0xbb: {  	s0 =	sor.u32 s1, s0  }
0xbc: {  	s0 =	sadd.s32 $0x8F2B, s0  }
0xbd: {  	[sflag:s0] =	ssyncadd.remote.s32 $0x1  }
0xbe: {  	_ =	sfence.sel $0xFFFF  }
0xbf: {  	[dreg:$0x0] =	wrdreg $0xFFFFFFFF;
	(pc) =	sbr.abs _section_cstart, $3  }
0xc0: {  	[dreg:$0x1] =	wrdreg $0xFFFFFFFF  }
0xc1: {  	_ =	task.clear_ibuf [dreg:s6], $0x2FFFF;
	_ =	strace $0x9FFFFFFF  }
0xc2: {  	(tm) =	ssettm $0x7FFFFFFF  }
0xc3: {  	_ =	shalt  }
tec
execute0_lowered:
.L_overlay_start_1:
0x0: {  	(tag) =	ssettag $0x1  }
0x1: {  	s3 =	rddreg [dreg:$0x0];
	s2 =	srdreg.scid  }
0x2: {  	s1 =	rddreg [dreg:$0x1];
	s4 =	sand.u32 $0x1, s2  }
0x3: {  	s6 =	sshll.u32 s4, $0x4;
	s8 =	smul.u32 $0x2200, s4;
	s4 =	ssub.s32 $0x2, s4  }
0x4: {  	s0 =	rddreg [dreg:$0x2];
	s5 =	stileid.u32;
	s9 =	sshrl.u32 s4, $0x1  }
0x5: {  	s11 =	simm.s32 $0x200;
	s10 =	simm.s32 $0x4200;
	s4 =	ssub.s32 s4, s9  }
0x6: {  	p1 =	por $0x0, $0x0;
	s2 =	simm.s32 $0x0;
	s31 =	smax.u32 s4, $0x1  }
0x7: {  	s13 =	sadd.s32 $0x4C00, s3;
	s6 =	sor.u32 s5, s6;
	s16 =	sadd.s32 $0xFFFFFFFF, s31  }
0x8: {  	p0 =	sne.s32 s5, $0x0;
	s7 =	smul.u32 $0x1800, s6;
	p2 =	sne.s32 s16, $0x0  }
.Ltmp0:
0x9: {  	[smem:$0x7FF] =	sst s2;
	s6 =	sshll.u32 s6, $0x6;
	(pc) =	sbr.rel @!p2 .LBB2_3-.Ltmp0, $4  }
0xa: {  	_ =	strace $0x80000053;
	s5 =	simm.s32 $0x1;
	s6 =	sadd.s32 s6, s3  }
0xb: {  	s4 =	sshrl.u32 @!p0 s1, $0x3;
	s7 =	sadd.s32 s7, s3;
	s3 =	sadd.s32 s8, s3  }
0xc: {  	s12 =	sadd.s32 $0xEC00, s6;
	s6 =	simm.s32 $0x80;
	s8 =	simm.s32 $0x8200  }
0xd: {  	s9 =	sadd.s32 $0xF400, s7;
	s3 =	sadd.s32 $0x6E00, s3;
	s7 =	simm.s32 $0x100  }
0xe: {  	s15 =	simm.s32 @!p0 $0x1C01;
	s14 =	simm.s32 @!p0 $0x1  }
0xf: {  	[spmem:s4], [sflag:s15] =	dma.local @!p0 [hbm:s13], $0x2200  }
0x10: {  	_ =	swait.ge @!p0 [sflag:s14], $0x2200  }
0x11: {  	[sflag:s14] =	ssyncset.done @!p0 $0x0  }
0x12: {  	[sflag:s14] =	ssyncadd.s32 @!p0 $0xFFFFDE00  }
0x13: {  	[tilespmem:s2], [sflag:$0x1] =	stream.linear.gather [hbm4b:s12+s2], $0x180, $0x38;
	[tilespmem:$0xD300] =	vst v63  }
0x14: {  	_ =	swait.ge [sflag:s5], $0x180  }
0x15: {  	[sflag:s5] =	ssyncset.done $0x0  }
0x16: {  	[sflag:s5] =	ssyncadd.s32 $0xFFFFFE80  }
0x17: {  	[tilespmem:s11], [sflag:$0x1] =	stream.linear.gather [hbm4b:s9+s2], $0xC000, $0x38;
	[tilespmem:$0xD300] =	vst v63  }
0x18: {  	_ =	swait.ge [sflag:s5], $0xC000  }
0x19: {  	[sflag:s5] =	ssyncset.done $0x0  }
0x1a: {  	[sflag:s5] =	ssyncadd.s32 $0xFFFF4000  }
0x1b: {  	[bflag:$0x0] =	sbarrier.arrive $0xFFFF  }
0x1c: {  	[spmem:s1] =	stream.indirect.scatter.add.f32 [tilespmem:s11], [sflag:$0x1], $0x80, s2, s6, $0xb8;
	[tilespmem:$0xD300] =	vst v63  }
0x1d: {  	_ =	swait.ge [sflag:s5], $0x4000  }
0x1e: {  	[sflag:s5] =	ssyncset.done $0x0  }
0x1f: {  	[sflag:s5] =	ssyncadd.s32 $0xFFFFC000  }
0x20: {  	[spmem:s1] =	stream.indirect.scatter.add.f32 [tilespmem:s10], [sflag:$0x1], $0x80, s6, s6, $0xb8;
	[tilespmem:$0xD300] =	vst v63  }
0x21: {  	_ =	swait.ge [sflag:s5], $0x4000  }
0x22: {  	[sflag:s5] =	ssyncset.done $0x0  }
0x23: {  	[sflag:s5] =	ssyncadd.s32 $0xFFFFC000  }
0x24: {  	[spmem:s1] =	stream.indirect.scatter.add.f32 [tilespmem:s8], [sflag:$0x1], $0x80, s7, s6, $0xb8;
	[tilespmem:$0xD300] =	vst v63  }
0x25: {  	s16 =	sadd.s32 $0xFFFFFFFF, s16;
	_ =	swait.ge [sflag:s5], $0x4000  }
0x26: {  	p2 =	sne.s32 s16, $0x0;
	[sflag:s5] =	ssyncset.done $0x0  }
.Ltmp1:
0x27: {  	[sflag:s5] =	ssyncadd.s32 $0xFFFFC000;
	(pc) =	sbr.rel @!p2 .LBB2_3-.Ltmp1, $4  }
0x28: {  	[bflag:$0x0] =	sbarrier.arrive $0xFFFF  }
0x29: {  	[hbm:s3], [sflag:s15] =	dma.local @!p0 [spmem:s4], $0x2200  }
0x2a: {  	_ =	swait.ge @!p0 [sflag:s14], $0x2200  }
0x2b: {  	p1 =	por $0x1, $0x1;
	[sflag:s14] =	ssyncset.done @!p0 $0x0  }
.LBB2_2:
0x2c: {  	[sflag:s14] =	ssyncadd.s32 @!p0 $0xFFFFDE00  }
0x2d: {  	[spmem:s4], [sflag:s15] =	dma.local @!p0 [hbm:s13], $0x2200  }
0x2e: {  	s16 =	sadd.s32 $0xFFFFFFFF, s16;
	_ =	swait.ge @!p0 [sflag:s14], $0x2200  }
0x2f: {  	p2 =	sne.s32 s16, $0x0;
	[sflag:s14] =	ssyncset.done @!p0 $0x0  }
0x30: {  	[sflag:s14] =	ssyncadd.s32 @!p0 $0xFFFFDE00  }
0x31: {  	[tilespmem:s2], [sflag:$0x1] =	stream.linear.gather [hbm4b:s12+s2], $0x180, $0x38;
	[tilespmem:$0xD300] =	vst v63  }
0x32: {  	_ =	swait.ge [sflag:s5], $0x180  }
0x33: {  	[sflag:s5] =	ssyncset.done $0x0  }
0x34: {  	[sflag:s5] =	ssyncadd.s32 $0xFFFFFE80  }
0x35: {  	[tilespmem:s11], [sflag:$0x1] =	stream.linear.gather [hbm4b:s9+s2], $0xC000, $0x38;
	[tilespmem:$0xD300] =	vst v63  }
0x36: {  	_ =	swait.ge [sflag:s5], $0xC000  }
0x37: {  	[sflag:s5] =	ssyncset.done $0x0  }
0x38: {  	[sflag:s5] =	ssyncadd.s32 $0xFFFF4000  }
0x39: {  	[bflag:$0x0] =	sbarrier.arrive $0xFFFF  }
0x3a: {  	[spmem:s1] =	stream.indirect.scatter.add.f32 [tilespmem:s11], [sflag:$0x1], $0x80, s2, s6, $0xb8;
	[tilespmem:$0xD300] =	vst v63  }
0x3b: {  	_ =	swait.ge [sflag:s5], $0x4000  }
0x3c: {  	[sflag:s5] =	ssyncset.done $0x0  }
0x3d: {  	[sflag:s5] =	ssyncadd.s32 $0xFFFFC000  }
0x3e: {  	[spmem:s1] =	stream.indirect.scatter.add.f32 [tilespmem:s10], [sflag:$0x1], $0x80, s6, s6, $0xb8;
	[tilespmem:$0xD300] =	vst v63  }
0x3f: {  	_ =	swait.ge [sflag:s5], $0x4000  }
0x40: {  	[sflag:s5] =	ssyncset.done $0x0  }
0x41: {  	[sflag:s5] =	ssyncadd.s32 $0xFFFFC000  }
0x42: {  	[spmem:s1] =	stream.indirect.scatter.add.f32 [tilespmem:s8], [sflag:$0x1], $0x80, s7, s6, $0xb8;
	[tilespmem:$0xD300] =	vst v63  }
0x43: {  	_ =	swait.ge [sflag:s5], $0x4000  }
0x44: {  	[sflag:s5] =	ssyncset.done $0x0  }
.Ltmp2:
0x45: {  	[sflag:s5] =	ssyncadd.s32 $0xFFFFC000;
	(pc) =	sbr.rel @p2 .LBB2_2-.Ltmp2, $4  }
0x46: {  	[bflag:$0x0] =	sbarrier.arrive $0xFFFF  }
0x47: {  	[hbm:s3], [sflag:s15] =	dma.local @!p0 [spmem:s4], $0x2200  }
0x48: {  	_ =	swait.ge @!p0 [sflag:s14], $0x2200  }
0x49: {  	[sflag:s14] =	ssyncset.done @!p0 $0x0  }
.LBB2_3:
0x4a: {  	p1 =	por p0, !p1  }
0x4b: {  	s15 =	simm.s32 @!p0 $0x1C01;
	s16 =	simm.s32 @!p0 $0x1;
	[sflag:s14] =	ssyncadd.s32 @!p1 $0xFFFFDE00  }
0x4c: {  	[spmem:s4], [sflag:s15] =	dma.local @!p0 [hbm:s13], $0x2200  }
0x4d: {  	_ =	swait.ge @!p0 [sflag:s16], $0x2200  }
0x4e: {  	[sflag:s16] =	ssyncset.done @!p0 $0x0  }
0x4f: {  	[sflag:s16] =	ssyncadd.s32 @!p0 $0xFFFFDE00  }
0x50: {  	[tilespmem:s2], [sflag:$0x1] =	stream.linear.gather [hbm4b:s12+s2], $0x180, $0x38;
	[tilespmem:$0xD300] =	vst v63  }
0x51: {  	_ =	swait.ge [sflag:s5], $0x180  }
0x52: {  	[sflag:s5] =	ssyncset.done $0x0  }
0x53: {  	[sflag:s5] =	ssyncadd.s32 $0xFFFFFE80  }
0x54: {  	[tilespmem:s11], [sflag:$0x1] =	stream.linear.gather [hbm4b:s9+s2], $0xC000, $0x38;
	[tilespmem:$0xD300] =	vst v63  }
0x55: {  	_ =	swait.ge [sflag:s5], $0xC000  }
0x56: {  	[sflag:s5] =	ssyncset.done $0x0  }
0x57: {  	[sflag:s5] =	ssyncadd.s32 $0xFFFF4000  }
0x58: {  	[bflag:$0x0] =	sbarrier.arrive $0xFFFF  }
0x59: {  	[spmem:s1] =	stream.indirect.scatter.add.f32 [tilespmem:s11], [sflag:$0x1], $0x80, s2, s6, $0xb8;
	[tilespmem:$0xD300] =	vst v63  }
0x5a: {  	_ =	swait.ge [sflag:s5], $0x4000  }
0x5b: {  	[sflag:s5] =	ssyncset.done $0x0  }
0x5c: {  	[sflag:s5] =	ssyncadd.s32 $0xFFFFC000  }
0x5d: {  	[spmem:s1] =	stream.indirect.scatter.add.f32 [tilespmem:s10], [sflag:$0x1], $0x80, s6, s6, $0xb8;
	[tilespmem:$0xD300] =	vst v63  }
0x5e: {  	_ =	swait.ge [sflag:s5], $0x4000  }
0x5f: {  	[sflag:s5] =	ssyncset.done $0x0  }
0x60: {  	[sflag:s5] =	ssyncadd.s32 $0xFFFFC000  }
0x61: {  	[spmem:s1] =	stream.indirect.scatter.add.f32 [tilespmem:s8], [sflag:$0x1], $0x80, s7, s6, $0xb8;
	[tilespmem:$0xD300] =	vst v63  }
0x62: {  	_ =	swait.ge [sflag:s5], $0x4000  }
0x63: {  	[sflag:s5] =	ssyncset.done $0x0  }
0x64: {  	[sflag:s5] =	ssyncadd.s32 $0xFFFFC000  }
0x65: {  	[bflag:$0x0] =	sbarrier.arrive $0xFFFF  }
0x66: {  	[hbm:s3], [sflag:s15] =	dma.local @!p0 [spmem:s4], $0x2200  }
0x67: {  	_ =	swait.ge @!p0 [sflag:s16], $0x2200  }
0x68: {  	[sflag:s16] =	ssyncset.done @!p0 $0x0  }
0x69: {  	[sflag:s16] =	ssyncadd.s32 @!p0 $0xFFFFDE00  }
0x6a: {  	_ =	sfence.sel $0x180000  }
0x6b: {  	[bflag:$0x0] =	sbarrier.arrive $0xFFFF  }
0x6c: {  	_ =	strace $0x90000053  }
0x6d: {  	s0 =	sadd.s32 @!p0 $0x100000, s0;
	[bflag:$0x2] =	sbarrier.arrive $0xFFFF  }
0x6e: {  	[sflag:s0] =	ssyncadd.tile.s32 @!p0 $0x1;
	_ =	shalt  }
.Lfunc_end2:
_tile_overlayer_lowered:
.L_overlay_start_2:
0x6f: {  	(tag) =	ssettag $0x2  }
0x70: {  	s0 =	rddreg [dreg:$0x0];
	s2 =	stileid.u32  }
0x71: {  	s1 =	rddreg [dreg:$0x1];
	p0 =	sne.s32 s2, $0x0  }
0x72: {  	s3 =	rddreg [dreg:$0x2];
	[bflag:$0x3] =	sbarrier.arrive $0xFFFF;
	s2 =	simm.s32 @!p0 $0x1C01  }
0x73: {  	[timem:s3], [sflag:s2] =	dma.local @!p0 [hbm:s0], s1  }
0x74: {  	s0 =	simm.s32 @!p0 $0x1  }
0x75: {  	_ =	swait.ge @!p0 [sflag:s0], s1  }
0x76: {  	s1 =	ssub.s32 @!p0 $0x0, s1;
	[sflag:s0] =	ssyncset.done @!p0 $0x0  }
0x77: {  	[sflag:s0] =	ssyncadd.s32 @!p0 s1  }
0x78: {  	[bflag:$0x3] =	sbarrier.arrive $0xFFFF  }
0x79: {  	_ =	shalt  }

</sc_bundles>
